<compile_context>
chip_gen: v7x
topology: tpu7x:2x2x1
jax: 0.10.2.dev20260603
libtpu: 0.0.44.dev20260713+nightly
codegen_flags: <defaults>
</compile_context>

<pallas_src>
import math

import jax
import jax.numpy as jnp
from jax import lax
from jax.experimental import pallas as pl
from jax.experimental.pallas import tpu as pltpu

N = 524288
D = 16
K = 8
RANGE_MIN = -3.0
RANGE_MAX = 3.0
MIN_BIN_SIZE = 1e-4
MIN_SLOPE = 1e-4
LANES = 128
SPB = LANES // D

ROWS = N // SPB
BLOCK_ROWS = 1024


def _outer(x_hbm, pt_ref, y_hbm, ld_hbm):
    pt = pt_ref[...]
    wu = pt[0:K, :]
    hu = pt[K:2 * K, :]
    su = pt[2 * K:3 * K + 1, :]

    total = RANGE_MAX - RANGE_MIN
    widths = jax.nn.softmax(wu, axis=0) * (total - K * MIN_BIN_SIZE) + MIN_BIN_SIZE
    heights = jax.nn.softmax(hu, axis=0) * (total - K * MIN_BIN_SIZE) + MIN_BIN_SIZE
    offset = math.log(math.exp(1.0 - MIN_SLOPE) - 1.0)
    slopes = jax.nn.softplus(su + offset) + MIN_SLOPE

    xp = [jnp.full((1, LANES), RANGE_MIN, jnp.float32)]
    yp = [jnp.full((1, LANES), RANGE_MIN, jnp.float32)]
    for j in range(K):
        xp.append(xp[-1] + widths[j:j + 1, :])
        yp.append(yp[-1] + heights[j:j + 1, :])
    sl = [slopes[j:j + 1, :] for j in range(K + 1)]

    inv_w = [1.0 / (widths[k:k + 1, :] + 1e-8) for k in range(K)]
    h_tab = [heights[k:k + 1, :] for k in range(K)]

    red = (lax.broadcasted_iota(jnp.int32, (LANES, SPB), 0) // D
           == lax.broadcasted_iota(jnp.int32, (LANES, SPB), 1)).astype(jnp.float32)

    def inner(x_ref, y_ref, ld_ref):
        x = x_ref[...].reshape(BLOCK_ROWS, LANES)
        m = [x >= xp[j] for j in range(1, K)]

        def gather(tab):
            v = jnp.broadcast_to(tab[0], x.shape)
            for j in range(1, K):
                v = jnp.where(m[j - 1], jnp.broadcast_to(tab[j], x.shape), v)
            return v

        x_k = gather(xp[:K])
        y_k = gather(yp[:K])
        s_k = gather(sl[:K])
        s_k1 = gather(sl[1:K + 1])
        iw = gather(inv_w)
        h = gather(h_tab)
        s = h * iw

        xi = jnp.clip((x - x_k) * iw, 0.0, 1.0)
        omx = 1.0 - xi
        u = xi * omx
        t = xi * xi
        num = s * t + s_k * u
        den0 = s + (s_k1 + s_k - 2.0 * s) * u
        den = jnp.maximum(jnp.abs(den0), 1e-8) * jnp.sign(den0)
        r = 1.0 / den
        y_sp = y_k + h * (num * r)
        dnum = (s * s) * (s_k1 * t + 2.0 * s * u + s_k * (omx * omx))
        deriv = jnp.maximum(dnum * r * r, 1e-8)

        below = x < RANGE_MIN
        above = x > RANGE_MAX
        sl0 = jnp.broadcast_to(sl[0], x.shape)
        sl8 = jnp.broadcast_to(sl[K], x.shape)
        y_lin_l = (x - RANGE_MIN) * sl0 + RANGE_MIN
        y_lin_r = (x - RANGE_MAX) * sl8 + RANGE_MAX
        y_ref[...] = jnp.where(below, y_lin_l,
                               jnp.where(above, y_lin_r, y_sp)).reshape(BLOCK_ROWS * LANES)
        dsel = jnp.where(below, sl0, jnp.where(above, sl8, deriv))
        ld = jnp.log(dsel)
        ld_ref[...] = jax.lax.dot(ld, red, precision=jax.lax.Precision.HIGHEST)

    pltpu.emit_pipeline(
        inner,
        grid=(ROWS // BLOCK_ROWS,),
        in_specs=[pl.BlockSpec((BLOCK_ROWS * LANES,), lambda i: (i,))],
        out_specs=[
            pl.BlockSpec((BLOCK_ROWS * LANES,), lambda i: (i,)),
            pl.BlockSpec((BLOCK_ROWS, SPB), lambda i: (i, 0)),
        ],
    )(x_hbm, y_hbm, ld_hbm)


def kernel(x, params):
    pt = jnp.tile(params.T, (1, SPB))
    y, ld = pl.pallas_call(
        _outer,
        in_specs=[
            pl.BlockSpec(memory_space=pltpu.HBM),
            pl.BlockSpec(memory_space=pltpu.VMEM),
        ],
        out_specs=[
            pl.BlockSpec(memory_space=pltpu.HBM),
            pl.BlockSpec(memory_space=pltpu.HBM),
        ],
        out_shape=[
            jax.ShapeDtypeStruct((N * D,), jnp.float32),
            jax.ShapeDtypeStruct((ROWS, SPB), jnp.float32),
        ],
    )(x.reshape(N * D), pt)
    return y.reshape(N, D), ld.reshape(N)

# --- scband reference (transcript-rebuilt; emitter-appended) ---
"""Pipeline reference for scband-rational-quadratic-spline-65369402245303 (READ-ONLY COPY).

The authoritative reference and input builder live on the scoring server;
editing this copy changes nothing except your own understanding.
"""

import jax, jax.numpy as jnp
import numpy as np

N = 524288
INPUT_DIM = 16
NUM_BINS = 8
RANGE_MIN = -3.0
RANGE_MAX = 3.0
MIN_BIN_SIZE = 1e-4
MIN_SLOPE = 1e-4


def setup_inputs(seed: int = 0) -> dict:
    key = jax.random.key(seed)
    k1, k2 = jax.random.split(key)
    x = jax.random.normal(k1, (N, INPUT_DIM), dtype=jnp.float32)
    params = jax.random.normal(k2, (INPUT_DIM, 3 * NUM_BINS + 1), dtype=jnp.float32) * 0.1
    return {"x": x, "params": params}


def _normalize_bins(u, total_size, min_size):
    normalized = jax.nn.softmax(u, axis=-1)
    num_bins = u.shape[-1]
    return normalized * (total_size - num_bins * min_size) + min_size


def _normalize_slopes(u, min_slope):
    offset = jnp.log(jnp.exp(1.0 - min_slope) - 1.0)
    return jax.nn.softplus(u + offset) + min_slope


def _spline_forward_dim(x, x_pos, y_pos, slopes):
    # x: [N], x_pos/y_pos: [K+1], slopes: [K+1]
    num_bins = x_pos.shape[-1] - 1
    bin_idx = jnp.searchsorted(x_pos[1:-1], x, side='right')
    bin_idx = jnp.clip(bin_idx, 0, num_bins - 1)
    x_k = x_pos[bin_idx]
    x_k1 = x_pos[bin_idx + 1]
    y_k = y_pos[bin_idx]
    y_k1 = y_pos[bin_idx + 1]
    slope_k = slopes[bin_idx]
    slope_k1 = slopes[bin_idx + 1]
    width = x_k1 - x_k
    xi = jnp.clip((x - x_k) / (width + 1e-08), 0.0, 1.0)
    height = y_k1 - y_k
    s = height / (width + 1e-08)
    numerator = s * xi ** 2 + slope_k * xi * (1 - xi)
    denominator = s + (slope_k1 + slope_k - 2 * s) * xi * (1 - xi)
    denominator = jnp.maximum(jnp.abs(denominator), 1e-08) * jnp.sign(denominator)
    y_spline = y_k + height * (numerator / denominator)
    xi_1mxi = xi * (1 - xi)
    derivative_num = s ** 2 * (slope_k1 * xi ** 2 + 2 * s * xi_1mxi + slope_k * (1 - xi) ** 2)
    derivative = derivative_num / denominator ** 2
    derivative = jnp.maximum(derivative, 1e-08)
    logdet_spline = jnp.log(derivative)
    slope_left = slopes[0]
    slope_right = slopes[-1]
    y_linear_left = (x - RANGE_MIN) * slope_left + RANGE_MIN
    y_linear_right = (x - RANGE_MAX) * slope_right + RANGE_MAX
    logdet_linear_left = jnp.log(slope_left)
    logdet_linear_right = jnp.log(slope_right)
    below_range = x < RANGE_MIN
    above_range = x > RANGE_MAX
    y = jnp.where(below_range, y_linear_left, jnp.where(above_range, y_linear_right, y_spline))
    logdet = jnp.where(below_range, logdet_linear_left, jnp.where(above_range, logdet_linear_right, logdet_spline))
    return y, logdet


def reference(x, params):
    K = (params.shape[-1] - 1) // 3
    widths = _normalize_bins(params[:, :K], RANGE_MAX - RANGE_MIN, MIN_BIN_SIZE)
    heights = _normalize_bins(params[:, K:2 * K], RANGE_MAX - RANGE_MIN, MIN_BIN_SIZE)
    slopes = _normalize_slopes(params[:, 2 * K:], MIN_SLOPE)
    zeros = jnp.zeros((params.shape[0], 1), dtype=params.dtype)
    x_pos = jnp.concatenate([zeros, jnp.cumsum(widths, axis=-1)], axis=-1) + RANGE_MIN
    y_pos = jnp.concatenate([zeros, jnp.cumsum(heights, axis=-1)], axis=-1) + RANGE_MIN
    # vmap over the input_dim axis (equivalent to the per-dim python loop)
    y_t, ld_t = jax.vmap(_spline_forward_dim, in_axes=(1, 0, 0, 0), out_axes=(0, 0))(x, x_pos, y_pos, slopes)
    y = jnp.transpose(y_t)  # [N, D]
    total_logdet = jnp.sum(ld_t, axis=0)  # [N]
    return y, total_logdet

if __name__ == "__main__":
    import jax
    _d = setup_inputs()
    print(jax.jit(kernel)(*tuple(_d.values())))

</pallas_src>

<mosaic_0001>
module attributes {stable_mosaic.version = 14 : i64} {
  func.func @_outer(%arg0: memref<8388608xf32, #tpu.memory_space<hbm>>, %arg1: memref<25x128xf32, #tpu.memory_space<vmem>>, %arg2: memref<8388608xf32, #tpu.memory_space<hbm>>, %arg3: memref<65536x8xf32, #tpu.memory_space<hbm>>) attributes {dimension_semantics = [], scalar_prefetch = 0 : i64, scratch_operands = 0 : i64, tpu.core_type = #tpu.core_type<tc>} {
    %get3A = arith.constant 0 : index
    %get3A_0 = arith.constant 0 : index
    %get3A_1 = vector.load %arg1[%get3A, %get3A_0] : memref<25x128xf32, #tpu.memory_space<vmem>>, vector<25x128xf32>
    %slice3A = vector.extract_strided_slice %get3A_1 {offsets = [0, 0], sizes = [8, 128], strides = [1, 1]} : vector<25x128xf32> to vector<8x128xf32>
    %slice3A_2 = vector.extract_strided_slice %get3A_1 {offsets = [8, 0], sizes = [8, 128], strides = [1, 1]} : vector<25x128xf32> to vector<8x128xf32>
    %slice3A_3 = vector.extract_strided_slice %get3A_1 {offsets = [16, 0], sizes = [9, 128], strides = [1, 1]} : vector<25x128xf32> to vector<9x128xf32>
    %reduce_max3A = arith.constant dense<0xFF800000> : vector<128xf32>
    %reduce_max3A_4 = vector.multi_reduction <maximumf>, %slice3A, %reduce_max3A [0] : vector<8x128xf32> to vector<128xf32>
    %max3A = arith.constant 0xFF800000 : f32
    %max3A_5 = vector.broadcast %max3A : f32 to vector<128xf32>
    %max3A_6 = arith.maximumf %max3A_5, %reduce_max3A_4 : vector<128xf32>
    %broadcast_in_dim3A = vector.shape_cast %max3A_6 : vector<128xf32> to vector<1x128xf32>
    %sub3A = vector.broadcast %broadcast_in_dim3A : vector<1x128xf32> to vector<8x128xf32>
    %sub3A_7 = arith.subf %slice3A, %sub3A : vector<8x128xf32>
    %exp3A = math.exp %sub3A_7 : vector<8x128xf32>
    %reduce_sum3A = arith.constant dense<0.000000e+00> : vector<128xf32>
    %reduce_sum3A_8 = vector.multi_reduction <add>, %exp3A, %reduce_sum3A [0] : vector<8x128xf32> to vector<128xf32>
    %broadcast_in_dim3A_9 = vector.shape_cast %reduce_sum3A_8 : vector<128xf32> to vector<1x128xf32>
    %div3A = vector.broadcast %broadcast_in_dim3A_9 : vector<1x128xf32> to vector<8x128xf32>
    %div3A_10 = arith.divf %exp3A, %div3A : vector<8x128xf32>
    %mul3A = arith.constant 5.99919986 : f32
    %mul3A_11 = vector.broadcast %mul3A : f32 to vector<8x128xf32>
    %mul3A_12 = arith.mulf %div3A_10, %mul3A_11 : vector<8x128xf32>
    %add3A = arith.constant 9.99999974E-5 : f32
    %add3A_13 = vector.broadcast %add3A : f32 to vector<8x128xf32>
    %add3A_14 = arith.addf %mul3A_12, %add3A_13 : vector<8x128xf32>
    %reduce_max3A_15 = arith.constant dense<0xFF800000> : vector<128xf32>
    %reduce_max3A_16 = vector.multi_reduction <maximumf>, %slice3A_2, %reduce_max3A_15 [0] : vector<8x128xf32> to vector<128xf32>
    %max3A_17 = arith.constant 0xFF800000 : f32
    %max3A_18 = vector.broadcast %max3A_17 : f32 to vector<128xf32>
    %max3A_19 = arith.maximumf %max3A_18, %reduce_max3A_16 : vector<128xf32>
    %broadcast_in_dim3A_20 = vector.shape_cast %max3A_19 : vector<128xf32> to vector<1x128xf32>
    %sub3A_21 = vector.broadcast %broadcast_in_dim3A_20 : vector<1x128xf32> to vector<8x128xf32>
    %sub3A_22 = arith.subf %slice3A_2, %sub3A_21 : vector<8x128xf32>
    %exp3A_23 = math.exp %sub3A_22 : vector<8x128xf32>
    %reduce_sum3A_24 = arith.constant dense<0.000000e+00> : vector<128xf32>
    %reduce_sum3A_25 = vector.multi_reduction <add>, %exp3A_23, %reduce_sum3A_24 [0] : vector<8x128xf32> to vector<128xf32>
    %broadcast_in_dim3A_26 = vector.shape_cast %reduce_sum3A_25 : vector<128xf32> to vector<1x128xf32>
    %div3A_27 = vector.broadcast %broadcast_in_dim3A_26 : vector<1x128xf32> to vector<8x128xf32>
    %div3A_28 = arith.divf %exp3A_23, %div3A_27 : vector<8x128xf32>
    %mul3A_29 = arith.constant 5.99919986 : f32
    %mul3A_30 = vector.broadcast %mul3A_29 : f32 to vector<8x128xf32>
    %mul3A_31 = arith.mulf %div3A_28, %mul3A_30 : vector<8x128xf32>
    %add3A_32 = arith.constant 9.99999974E-5 : f32
    %add3A_33 = vector.broadcast %add3A_32 : f32 to vector<8x128xf32>
    %add3A_34 = arith.addf %mul3A_31, %add3A_33 : vector<8x128xf32>
    %add3A_35 = arith.constant 0.541166663 : f32
    %add3A_36 = vector.broadcast %add3A_35 : f32 to vector<9x128xf32>
    %add3A_37 = arith.addf %slice3A_3, %add3A_36 : vector<9x128xf32>
    %custom_jvp_call3A = arith.constant 0.000000e+00 : f32
    %max3A_38 = vector.broadcast %custom_jvp_call3A : f32 to vector<9x128xf32>
    %max3A_39 = arith.maximumf %add3A_37, %max3A_38 : vector<9x128xf32>
    %sub3A_40 = vector.broadcast %custom_jvp_call3A : f32 to vector<9x128xf32>
    %sub3A_41 = arith.subf %add3A_37, %sub3A_40 : vector<9x128xf32>
    %ne3A = arith.cmpf one, %sub3A_41, %sub3A_41 : vector<9x128xf32>
    %add3A_42 = vector.broadcast %custom_jvp_call3A : f32 to vector<9x128xf32>
    %add3A_43 = arith.addf %add3A_37, %add3A_42 : vector<9x128xf32>
    %abs3A = math.absf %sub3A_41 : vector<9x128xf32>
    %neg3A = arith.constant 0.000000e+00 : f32
    %neg3A_44 = vector.broadcast %neg3A : f32 to vector<9x128xf32>
    %neg3A_45 = arith.subf %neg3A_44, %abs3A : vector<9x128xf32>
    %exp3A_46 = math.exp %neg3A_45 : vector<9x128xf32>
    %log1p3A = math.log1p %exp3A_46 : vector<9x128xf32>
    %add3A_47 = arith.addf %max3A_39, %log1p3A : vector<9x128xf32>
    %select_n3A = arith.select %ne3A, %add3A_43, %add3A_47 : vector<9x128xi1>, vector<9x128xf32>
    %add3A_48 = arith.constant 9.99999974E-5 : f32
    %add3A_49 = vector.broadcast %add3A_48 : f32 to vector<9x128xf32>
    %add3A_50 = arith.addf %select_n3A, %add3A_49 : vector<9x128xf32>
    %broadcast_in_dim3A_51 = arith.constant -3.000000e+00 : f32
    %broadcast_in_dim3A_52 = vector.broadcast %broadcast_in_dim3A_51 : f32 to vector<1x128xf32>
    %broadcast_in_dim3A_53 = arith.constant -3.000000e+00 : f32
    %broadcast_in_dim3A_54 = vector.broadcast %broadcast_in_dim3A_53 : f32 to vector<1x128xf32>
    %slice3A_55 = vector.extract_strided_slice %add3A_14 {offsets = [0, 0], sizes = [1, 128], strides = [1, 1]} : vector<8x128xf32> to vector<1x128xf32>
    %add3A_56 = arith.addf %broadcast_in_dim3A_52, %slice3A_55 : vector<1x128xf32>
    %slice3A_57 = vector.extract_strided_slice %add3A_34 {offsets = [0, 0], sizes = [1, 128], strides = [1, 1]} : vector<8x128xf32> to vector<1x128xf32>
    %add3A_58 = arith.addf %broadcast_in_dim3A_54, %slice3A_57 : vector<1x128xf32>
    %slice3A_59 = vector.extract_strided_slice %add3A_14 {offsets = [1, 0], sizes = [1, 128], strides = [1, 1]} : vector<8x128xf32> to vector<1x128xf32>
    %add3A_60 = arith.addf %add3A_56, %slice3A_59 : vector<1x128xf32>
    %slice3A_61 = vector.extract_strided_slice %add3A_34 {offsets = [1, 0], sizes = [1, 128], strides = [1, 1]} : vector<8x128xf32> to vector<1x128xf32>
    %add3A_62 = arith.addf %add3A_58, %slice3A_61 : vector<1x128xf32>
    %slice3A_63 = vector.extract_strided_slice %add3A_14 {offsets = [2, 0], sizes = [1, 128], strides = [1, 1]} : vector<8x128xf32> to vector<1x128xf32>
    %add3A_64 = arith.addf %add3A_60, %slice3A_63 : vector<1x128xf32>
    %slice3A_65 = vector.extract_strided_slice %add3A_34 {offsets = [2, 0], sizes = [1, 128], strides = [1, 1]} : vector<8x128xf32> to vector<1x128xf32>
    %add3A_66 = arith.addf %add3A_62, %slice3A_65 : vector<1x128xf32>
    %slice3A_67 = vector.extract_strided_slice %add3A_14 {offsets = [3, 0], sizes = [1, 128], strides = [1, 1]} : vector<8x128xf32> to vector<1x128xf32>
    %add3A_68 = arith.addf %add3A_64, %slice3A_67 : vector<1x128xf32>
    %slice3A_69 = vector.extract_strided_slice %add3A_34 {offsets = [3, 0], sizes = [1, 128], strides = [1, 1]} : vector<8x128xf32> to vector<1x128xf32>
    %add3A_70 = arith.addf %add3A_66, %slice3A_69 : vector<1x128xf32>
    %slice3A_71 = vector.extract_strided_slice %add3A_14 {offsets = [4, 0], sizes = [1, 128], strides = [1, 1]} : vector<8x128xf32> to vector<1x128xf32>
    %add3A_72 = arith.addf %add3A_68, %slice3A_71 : vector<1x128xf32>
    %slice3A_73 = vector.extract_strided_slice %add3A_34 {offsets = [4, 0], sizes = [1, 128], strides = [1, 1]} : vector<8x128xf32> to vector<1x128xf32>
    %add3A_74 = arith.addf %add3A_70, %slice3A_73 : vector<1x128xf32>
    %slice3A_75 = vector.extract_strided_slice %add3A_14 {offsets = [5, 0], sizes = [1, 128], strides = [1, 1]} : vector<8x128xf32> to vector<1x128xf32>
    %add3A_76 = arith.addf %add3A_72, %slice3A_75 : vector<1x128xf32>
    %slice3A_77 = vector.extract_strided_slice %add3A_34 {offsets = [5, 0], sizes = [1, 128], strides = [1, 1]} : vector<8x128xf32> to vector<1x128xf32>
    %add3A_78 = arith.addf %add3A_74, %slice3A_77 : vector<1x128xf32>
    %slice3A_79 = vector.extract_strided_slice %add3A_14 {offsets = [6, 0], sizes = [1, 128], strides = [1, 1]} : vector<8x128xf32> to vector<1x128xf32>
    %add3A_80 = arith.addf %add3A_76, %slice3A_79 : vector<1x128xf32>
    %slice3A_81 = vector.extract_strided_slice %add3A_34 {offsets = [6, 0], sizes = [1, 128], strides = [1, 1]} : vector<8x128xf32> to vector<1x128xf32>
    %add3A_82 = arith.addf %add3A_78, %slice3A_81 : vector<1x128xf32>
    %slice3A_83 = vector.extract_strided_slice %add3A_50 {offsets = [0, 0], sizes = [1, 128], strides = [1, 1]} : vector<9x128xf32> to vector<1x128xf32>
    %slice3A_84 = vector.extract_strided_slice %add3A_50 {offsets = [1, 0], sizes = [1, 128], strides = [1, 1]} : vector<9x128xf32> to vector<1x128xf32>
    %slice3A_85 = vector.extract_strided_slice %add3A_50 {offsets = [2, 0], sizes = [1, 128], strides = [1, 1]} : vector<9x128xf32> to vector<1x128xf32>
    %slice3A_86 = vector.extract_strided_slice %add3A_50 {offsets = [3, 0], sizes = [1, 128], strides = [1, 1]} : vector<9x128xf32> to vector<1x128xf32>
    %slice3A_87 = vector.extract_strided_slice %add3A_50 {offsets = [4, 0], sizes = [1, 128], strides = [1, 1]} : vector<9x128xf32> to vector<1x128xf32>
    %slice3A_88 = vector.extract_strided_slice %add3A_50 {offsets = [5, 0], sizes = [1, 128], strides = [1, 1]} : vector<9x128xf32> to vector<1x128xf32>
    %slice3A_89 = vector.extract_strided_slice %add3A_50 {offsets = [6, 0], sizes = [1, 128], strides = [1, 1]} : vector<9x128xf32> to vector<1x128xf32>
    %slice3A_90 = vector.extract_strided_slice %add3A_50 {offsets = [7, 0], sizes = [1, 128], strides = [1, 1]} : vector<9x128xf32> to vector<1x128xf32>
    %slice3A_91 = vector.extract_strided_slice %add3A_50 {offsets = [8, 0], sizes = [1, 128], strides = [1, 1]} : vector<9x128xf32> to vector<1x128xf32>
    %slice3A_92 = vector.extract_strided_slice %add3A_14 {offsets = [0, 0], sizes = [1, 128], strides = [1, 1]} : vector<8x128xf32> to vector<1x128xf32>
    %add3A_93 = arith.constant 9.99999993E-9 : f32
    %add3A_94 = vector.broadcast %add3A_93 : f32 to vector<1x128xf32>
    %add3A_95 = arith.addf %slice3A_92, %add3A_94 : vector<1x128xf32>
    %div3A_96 = arith.constant 1.000000e+00 : f32
    %div3A_97 = vector.broadcast %div3A_96 : f32 to vector<1x128xf32>
    %div3A_98 = arith.divf %div3A_97, %add3A_95 : vector<1x128xf32>
    %slice3A_99 = vector.extract_strided_slice %add3A_14 {offsets = [1, 0], sizes = [1, 128], strides = [1, 1]} : vector<8x128xf32> to vector<1x128xf32>
    %add3A_100 = arith.constant 9.99999993E-9 : f32
    %add3A_101 = vector.broadcast %add3A_100 : f32 to vector<1x128xf32>
    %add3A_102 = arith.addf %slice3A_99, %add3A_101 : vector<1x128xf32>
    %div3A_103 = arith.constant 1.000000e+00 : f32
    %div3A_104 = vector.broadcast %div3A_103 : f32 to vector<1x128xf32>
    %div3A_105 = arith.divf %div3A_104, %add3A_102 : vector<1x128xf32>
    %slice3A_106 = vector.extract_strided_slice %add3A_14 {offsets = [2, 0], sizes = [1, 128], strides = [1, 1]} : vector<8x128xf32> to vector<1x128xf32>
    %add3A_107 = arith.constant 9.99999993E-9 : f32
    %add3A_108 = vector.broadcast %add3A_107 : f32 to vector<1x128xf32>
    %add3A_109 = arith.addf %slice3A_106, %add3A_108 : vector<1x128xf32>
    %div3A_110 = arith.constant 1.000000e+00 : f32
    %div3A_111 = vector.broadcast %div3A_110 : f32 to vector<1x128xf32>
    %div3A_112 = arith.divf %div3A_111, %add3A_109 : vector<1x128xf32>
    %slice3A_113 = vector.extract_strided_slice %add3A_14 {offsets = [3, 0], sizes = [1, 128], strides = [1, 1]} : vector<8x128xf32> to vector<1x128xf32>
    %add3A_114 = arith.constant 9.99999993E-9 : f32
    %add3A_115 = vector.broadcast %add3A_114 : f32 to vector<1x128xf32>
    %add3A_116 = arith.addf %slice3A_113, %add3A_115 : vector<1x128xf32>
    %div3A_117 = arith.constant 1.000000e+00 : f32
    %div3A_118 = vector.broadcast %div3A_117 : f32 to vector<1x128xf32>
    %div3A_119 = arith.divf %div3A_118, %add3A_116 : vector<1x128xf32>
    %slice3A_120 = vector.extract_strided_slice %add3A_14 {offsets = [4, 0], sizes = [1, 128], strides = [1, 1]} : vector<8x128xf32> to vector<1x128xf32>
    %add3A_121 = arith.constant 9.99999993E-9 : f32
    %add3A_122 = vector.broadcast %add3A_121 : f32 to vector<1x128xf32>
    %add3A_123 = arith.addf %slice3A_120, %add3A_122 : vector<1x128xf32>
    %div3A_124 = arith.constant 1.000000e+00 : f32
    %div3A_125 = vector.broadcast %div3A_124 : f32 to vector<1x128xf32>
    %div3A_126 = arith.divf %div3A_125, %add3A_123 : vector<1x128xf32>
    %slice3A_127 = vector.extract_strided_slice %add3A_14 {offsets = [5, 0], sizes = [1, 128], strides = [1, 1]} : vector<8x128xf32> to vector<1x128xf32>
    %add3A_128 = arith.constant 9.99999993E-9 : f32
    %add3A_129 = vector.broadcast %add3A_128 : f32 to vector<1x128xf32>
    %add3A_130 = arith.addf %slice3A_127, %add3A_129 : vector<1x128xf32>
    %div3A_131 = arith.constant 1.000000e+00 : f32
    %div3A_132 = vector.broadcast %div3A_131 : f32 to vector<1x128xf32>
    %div3A_133 = arith.divf %div3A_132, %add3A_130 : vector<1x128xf32>
    %slice3A_134 = vector.extract_strided_slice %add3A_14 {offsets = [6, 0], sizes = [1, 128], strides = [1, 1]} : vector<8x128xf32> to vector<1x128xf32>
    %add3A_135 = arith.constant 9.99999993E-9 : f32
    %add3A_136 = vector.broadcast %add3A_135 : f32 to vector<1x128xf32>
    %add3A_137 = arith.addf %slice3A_134, %add3A_136 : vector<1x128xf32>
    %div3A_138 = arith.constant 1.000000e+00 : f32
    %div3A_139 = vector.broadcast %div3A_138 : f32 to vector<1x128xf32>
    %div3A_140 = arith.divf %div3A_139, %add3A_137 : vector<1x128xf32>
    %slice3A_141 = vector.extract_strided_slice %add3A_14 {offsets = [7, 0], sizes = [1, 128], strides = [1, 1]} : vector<8x128xf32> to vector<1x128xf32>
    %add3A_142 = arith.constant 9.99999993E-9 : f32
    %add3A_143 = vector.broadcast %add3A_142 : f32 to vector<1x128xf32>
    %add3A_144 = arith.addf %slice3A_141, %add3A_143 : vector<1x128xf32>
    %div3A_145 = arith.constant 1.000000e+00 : f32
    %div3A_146 = vector.broadcast %div3A_145 : f32 to vector<1x128xf32>
    %div3A_147 = arith.divf %div3A_146, %add3A_144 : vector<1x128xf32>
    %slice3A_148 = vector.extract_strided_slice %add3A_34 {offsets = [0, 0], sizes = [1, 128], strides = [1, 1]} : vector<8x128xf32> to vector<1x128xf32>
    %slice3A_149 = vector.extract_strided_slice %add3A_34 {offsets = [1, 0], sizes = [1, 128], strides = [1, 1]} : vector<8x128xf32> to vector<1x128xf32>
    %slice3A_150 = vector.extract_strided_slice %add3A_34 {offsets = [2, 0], sizes = [1, 128], strides = [1, 1]} : vector<8x128xf32> to vector<1x128xf32>
    %slice3A_151 = vector.extract_strided_slice %add3A_34 {offsets = [3, 0], sizes = [1, 128], strides = [1, 1]} : vector<8x128xf32> to vector<1x128xf32>
    %slice3A_152 = vector.extract_strided_slice %add3A_34 {offsets = [4, 0], sizes = [1, 128], strides = [1, 1]} : vector<8x128xf32> to vector<1x128xf32>
    %slice3A_153 = vector.extract_strided_slice %add3A_34 {offsets = [5, 0], sizes = [1, 128], strides = [1, 1]} : vector<8x128xf32> to vector<1x128xf32>
    %slice3A_154 = vector.extract_strided_slice %add3A_34 {offsets = [6, 0], sizes = [1, 128], strides = [1, 1]} : vector<8x128xf32> to vector<1x128xf32>
    %slice3A_155 = vector.extract_strided_slice %add3A_34 {offsets = [7, 0], sizes = [1, 128], strides = [1, 1]} : vector<8x128xf32> to vector<1x128xf32>
    %iota3A = tpu.iota {dimensions = array<i32: 0>} : vector<128x8xi32>
    %jit3A = arith.constant 16 : i32
    %div3A_156 = vector.broadcast %jit3A : i32 to vector<128x8xi32>
    %div3A_157 = arith.divsi %iota3A, %div3A_156 : vector<128x8xi32>
    %sign3A = arith.constant 0 : i32
    %sign3A_158 = vector.broadcast %sign3A : i32 to vector<128x8xi32>
    %sign3A_159 = arith.cmpi sgt, %iota3A, %sign3A_158 : vector<128x8xi32>
    %sign3A_160 = arith.extui %sign3A_159 : vector<128x8xi1> to vector<128x8xi32>
    %sign3A_161 = arith.constant 0 : i32
    %sign3A_162 = vector.broadcast %sign3A_161 : i32 to vector<128x8xi32>
    %sign3A_163 = arith.cmpi slt, %iota3A, %sign3A_162 : vector<128x8xi32>
    %sign3A_164 = arith.extui %sign3A_163 : vector<128x8xi1> to vector<128x8xi32>
    %sign3A_165 = arith.subi %sign3A_160, %sign3A_164 : vector<128x8xi32>
    %sign3A_166 = arith.constant 0 : i32
    %sign3A_167 = arith.cmpi sgt, %jit3A, %sign3A_166 : i32
    %sign3A_168 = arith.extui %sign3A_167 : i1 to i32
    %sign3A_169 = arith.constant 0 : i32
    %sign3A_170 = arith.cmpi slt, %jit3A, %sign3A_169 : i32
    %sign3A_171 = arith.extui %sign3A_170 : i1 to i32
    %sign3A_172 = arith.subi %sign3A_168, %sign3A_171 : i32
    %ne3A_173 = vector.broadcast %sign3A_172 : i32 to vector<128x8xi32>
    %ne3A_174 = arith.cmpi ne, %sign3A_165, %ne3A_173 : vector<128x8xi32>
    %rem3A = vector.broadcast %jit3A : i32 to vector<128x8xi32>
    %rem3A_175 = arith.remsi %iota3A, %rem3A : vector<128x8xi32>
    %ne3A_176 = arith.constant 0 : i32
    %ne3A_177 = vector.broadcast %ne3A_176 : i32 to vector<128x8xi32>
    %ne3A_178 = arith.cmpi ne, %rem3A_175, %ne3A_177 : vector<128x8xi32>
    %and3A = arith.andi %ne3A_174, %ne3A_178 : vector<128x8xi1>
    %sub3A_179 = arith.constant 1 : i32
    %sub3A_180 = vector.broadcast %sub3A_179 : i32 to vector<128x8xi32>
    %sub3A_181 = arith.subi %div3A_157, %sub3A_180 : vector<128x8xi32>
    %select_n3A_182 = arith.select %and3A, %sub3A_181, %div3A_157 : vector<128x8xi1>, vector<128x8xi32>
    %iota3A_183 = tpu.iota {dimensions = array<i32: 1>} : vector<128x8xi32>
    %eq3A = arith.cmpi eq, %select_n3A_182, %iota3A_183 : vector<128x8xi32>
    %convert_element_type3A = arith.extui %eq3A : vector<128x8xi1> to vector<128x8xi32>
    %convert_element_type3A_184 = arith.sitofp %convert_element_type3A : vector<128x8xi32> to vector<128x8xf32>
    "tpu.region"() ({
      %run_scoped3A = memref.alloca() : memref<262144xf32, #tpu.memory_space<vmem>>
      %run_scoped3A_185 = tpu.sem_alloc : memref<2x!tpu.dma_semaphore, #tpu.memory_space<semaphore_mem>>
      %run_scoped3A_186 = memref.alloca() : memref<262144xf32, #tpu.memory_space<vmem>>
      %run_scoped3A_187 = tpu.sem_alloc : memref<2x!tpu.dma_semaphore, #tpu.memory_space<semaphore_mem>>
      %run_scoped3A_188 = memref.alloca() : memref<2x1024x8xf32, #tpu.memory_space<vmem>>
      %run_scoped3A_189 = tpu.sem_alloc : memref<2x!tpu.dma_semaphore, #tpu.memory_space<semaphore_mem>>
      %select_n3A_190 = arith.constant true
      %select_n3A_191 = arith.constant 0 : i32
      %select_n3A_192 = arith.constant -1 : i32
      %select_n3A_193 = arith.select %select_n3A_190, %select_n3A_192, %select_n3A_191 : i32
      %eq3A_194 = arith.constant -1 : i32
      %eq3A_195 = arith.cmpi eq, %select_n3A_193, %eq3A_194 : i32
      %select_n3A_196 = arith.constant 63 : i32
      %select_n3A_197 = arith.select %eq3A_195, %select_n3A_196, %select_n3A_193 : i32
      %add3A_198 = arith.constant 0 : i32
      %add3A_199 = arith.addi %select_n3A_197, %add3A_198 : i32
      %select_n3A_200 = arith.constant true
      %select_n3A_201 = arith.constant 0 : i32
      %select_n3A_202 = arith.constant 1 : i32
      %select_n3A_203 = arith.select %select_n3A_200, %select_n3A_202, %select_n3A_201 : i32
      %eq3A_204 = arith.constant 64 : i32
      %eq3A_205 = arith.cmpi eq, %select_n3A_203, %eq3A_204 : i32
      %select_n3A_206 = arith.constant 0 : i32
      %select_n3A_207 = arith.select %eq3A_205, %select_n3A_206, %select_n3A_203 : i32
      %add3A_208 = arith.constant 0 : i32
      %add3A_209 = arith.addi %select_n3A_207, %add3A_208 : i32
      %add3A_210 = arith.constant 1 : i32
      %add3A_211 = arith.addi %select_n3A_207, %add3A_210 : i32
      %select_n3A_212 = arith.constant true
      %select_n3A_213 = arith.select %select_n3A_212, %add3A_211, %select_n3A_207 : i32
      %eq3A_214 = arith.constant 64 : i32
      %eq3A_215 = arith.cmpi eq, %select_n3A_213, %eq3A_214 : i32
      %select_n3A_216 = arith.constant 0 : i32
      %select_n3A_217 = arith.select %eq3A_215, %select_n3A_216, %select_n3A_213 : i32
      %add3A_218 = arith.constant 0 : i32
      %add3A_219 = arith.addi %select_n3A_217, %add3A_218 : i32
      "tpu.trace_start"() <{level = 10 : i32, message = "ep_initialize_0"}> : () -> ()
      %rem3A_220 = arith.constant 0 : i32
      %rem3A_221 = arith.constant 2 : i32
      %rem3A_222 = arith.remui %rem3A_220, %rem3A_221 : i32
      %mul3A_223 = arith.constant 131072 : i32
      %mul3A_224 = arith.muli %rem3A_222, %mul3A_223 : i32
      %add3A_225 = arith.constant 0 : i32
      %add3A_226 = arith.addi %mul3A_224, %add3A_225 : i32
      %dma_start3A = tpu.memref_slice %run_scoped3A_185[%rem3A_222] : memref<2x!tpu.dma_semaphore, #tpu.memory_space<semaphore_mem>> -> memref<1x!tpu.dma_semaphore, #tpu.memory_space<semaphore_mem>>
      %dma_start3A_227 = tpu.memref_squeeze %dma_start3A : memref<1x!tpu.dma_semaphore, #tpu.memory_space<semaphore_mem>> -> memref<!tpu.dma_semaphore, #tpu.memory_space<semaphore_mem>>
      %dma_start3A_228 = tpu.memref_slice %run_scoped3A[%add3A_226] : memref<262144xf32, #tpu.memory_space<vmem>> -> memref<131072xf32, #tpu.memory_space<vmem>>
      %dma_start3A_229 = arith.constant 0 : i32
      %dma_start3A_230 = tpu.memref_slice %arg0[%dma_start3A_229] : memref<8388608xf32, #tpu.memory_space<hbm>> -> memref<131072xf32, #tpu.memory_space<hbm>>
      tpu.enqueue_dma source(%dma_start3A_230 : memref<131072xf32, #tpu.memory_space<hbm>>) target(%dma_start3A_228 : memref<131072xf32, #tpu.memory_space<vmem>>) target_semaphore(%dma_start3A_227 : memref<!tpu.dma_semaphore, #tpu.memory_space<semaphore_mem>>)
      %add3A_231 = arith.constant 0 : i32
      %add3A_232 = arith.constant 1 : i32
      %add3A_233 = arith.addi %add3A_231, %add3A_232 : i32
      %select_n3A_234 = arith.constant true
      %select_n3A_235 = arith.constant 0 : i32
      %select_n3A_236 = arith.select %select_n3A_234, %add3A_233, %select_n3A_235 : i32
      "tpu.trace_stop"() : () -> ()
      %scan3A = arith.constant 0 : i32
      %scan3A_237 = arith.constant 0 : i32
      %scan3A_238 = arith.constant 0 : i32
      %scan3A_239 = arith.constant 0 : i32
      %scan3A_240 = arith.constant 0 : i32
      %scan3A_241 = arith.constant 0 : i32
      %scan3A_242 = arith.constant 0 : i32
      %scan3A_243 = arith.constant 64 : i32
      %scan3A_244 = arith.addi %scan3A_242, %scan3A_243 : i32
      %scan3A_245 = arith.constant 1 : i32
      %scan3A_246:7 = scf.for %scan3A_311 = %scan3A_242 to %scan3A_244 step %scan3A_245 iter_args(%scan3A_312 = %select_n3A_236, %scan3A_313 = %scan3A, %scan3A_314 = %scan3A_237, %scan3A_315 = %scan3A_238, %scan3A_316 = %scan3A_239, %scan3A_317 = %scan3A_240, %scan3A_318 = %scan3A_241) -> (i32, i32, i32, i32, i32, i32, i32)  : i32 {
        %eq3A_319 = arith.constant 0 : i32
        %eq3A_320 = arith.cmpi eq, %scan3A_311, %eq3A_319 : i32
        %eq3A_321 = arith.constant 63 : i32
        %eq3A_322 = arith.cmpi eq, %scan3A_311, %eq3A_321 : i32
        %add3A_323 = arith.constant 0 : i32
        %add3A_324 = arith.addi %scan3A_318, %add3A_323 : i32
        %sub3A_325 = arith.constant 1 : i32
        %sub3A_326 = arith.subi %scan3A_318, %sub3A_325 : i32
        %select_n3A_327 = arith.constant true
        %select_n3A_328 = arith.select %select_n3A_327, %sub3A_326, %scan3A_318 : i32
        %eq3A_329 = arith.constant -1 : i32
        %eq3A_330 = arith.cmpi eq, %select_n3A_328, %eq3A_329 : i32
        %select_n3A_331 = arith.constant 63 : i32
        %select_n3A_332 = arith.select %eq3A_330, %select_n3A_331, %select_n3A_328 : i32
        %add3A_333 = arith.constant 0 : i32
        %add3A_334 = arith.addi %select_n3A_332, %add3A_333 : i32
        %add3A_335 = arith.constant 1 : i32
        %add3A_336 = arith.addi %scan3A_318, %add3A_335 : i32
        %select_n3A_337 = arith.constant true
        %select_n3A_338 = arith.select %select_n3A_337, %add3A_336, %scan3A_318 : i32
        %eq3A_339 = arith.constant 64 : i32
        %eq3A_340 = arith.cmpi eq, %select_n3A_338, %eq3A_339 : i32
        %select_n3A_341 = arith.constant 0 : i32
        %select_n3A_342 = arith.select %eq3A_340, %select_n3A_341, %select_n3A_338 : i32
        %add3A_343 = arith.constant 0 : i32
        %add3A_344 = arith.addi %select_n3A_342, %add3A_343 : i32
        %add3A_345 = arith.constant 1 : i32
        %add3A_346 = arith.addi %select_n3A_342, %add3A_345 : i32
        %select_n3A_347 = arith.constant true
        %select_n3A_348 = arith.select %select_n3A_347, %add3A_346, %select_n3A_342 : i32
        %eq3A_349 = arith.constant 64 : i32
        %eq3A_350 = arith.cmpi eq, %select_n3A_348, %eq3A_349 : i32
        %select_n3A_351 = arith.constant 0 : i32
        %select_n3A_352 = arith.select %eq3A_350, %select_n3A_351, %select_n3A_348 : i32
        %add3A_353 = arith.constant 0 : i32
        %add3A_354 = arith.addi %select_n3A_352, %add3A_353 : i32
        %ne3A_355 = arith.cmpi ne, %add3A_324, %add3A_344 : i32
        %or3A = arith.constant false
        %or3A_356 = arith.ori %or3A, %ne3A_355 : i1
        %ge3A = arith.constant 63 : i32
        %ge3A_357 = arith.cmpi sge, %scan3A_311, %ge3A : i32
        %not3A = arith.constant true
        %not3A_358 = arith.xori %ge3A_357, %not3A : i1
        %and3A_359 = arith.andi %or3A_356, %not3A_358 : i1
        %convert_element_type3A_360 = arith.extui %and3A_359 : i1 to i32
        %cond3A = arith.constant 0 : i32
        %cond3A_361 = arith.cmpi ne, %convert_element_type3A_360, %cond3A : i32
        scf.if %cond3A_361 {
          "tpu.trace_start"() <{level = 10 : i32, message = "ep_copy_in"}> : () -> ()
          %rem3A_761 = arith.constant 2 : i32
          %rem3A_762 = arith.remui %scan3A_312, %rem3A_761 : i32
          %mul3A_763 = arith.constant 131072 : i32
          %mul3A_764 = arith.muli %mul3A_763, %add3A_344 : i32
          %mul3A_765 = arith.constant 131072 : i32
          %mul3A_766 = arith.muli %rem3A_762, %mul3A_765 : i32
          %add3A_767 = arith.constant 0 : i32
          %add3A_768 = arith.addi %mul3A_766, %add3A_767 : i32
          %dma_start3A_769 = tpu.memref_slice %run_scoped3A_185[%rem3A_762] : memref<2x!tpu.dma_semaphore, #tpu.memory_space<semaphore_mem>> -> memref<1x!tpu.dma_semaphore, #tpu.memory_space<semaphore_mem>>
          %dma_start3A_770 = tpu.memref_squeeze %dma_start3A_769 : memref<1x!tpu.dma_semaphore, #tpu.memory_space<semaphore_mem>> -> memref<!tpu.dma_semaphore, #tpu.memory_space<semaphore_mem>>
          %dma_start3A_771 = tpu.memref_slice %run_scoped3A[%add3A_768] : memref<262144xf32, #tpu.memory_space<vmem>> -> memref<131072xf32, #tpu.memory_space<vmem>>
          %dma_start3A_772 = tpu.memref_slice %arg0[%mul3A_764] : memref<8388608xf32, #tpu.memory_space<hbm>> -> memref<131072xf32, #tpu.memory_space<hbm>>
          tpu.enqueue_dma source(%dma_start3A_772 : memref<131072xf32, #tpu.memory_space<hbm>>) target(%dma_start3A_771 : memref<131072xf32, #tpu.memory_space<vmem>>) target_semaphore(%dma_start3A_770 : memref<!tpu.dma_semaphore, #tpu.memory_space<semaphore_mem>>)
          "tpu.trace_stop"() : () -> ()
        } else {
        }
        %and3A_362 = arith.constant true
        %and3A_363 = arith.andi %and3A_359, %and3A_362 : i1
        %add3A_364 = arith.constant 1 : i32
        %add3A_365 = arith.addi %scan3A_312, %add3A_364 : i32
        %select_n3A_366 = arith.select %and3A_363, %add3A_365, %scan3A_312 : i32
        %ne3A_367 = arith.cmpi ne, %add3A_324, %add3A_344 : i32
        %or3A_368 = arith.constant false
        %or3A_369 = arith.ori %or3A_368, %ne3A_367 : i1
        %ge3A_370 = arith.constant 63 : i32
        %ge3A_371 = arith.cmpi sge, %scan3A_311, %ge3A_370 : i32
        %not3A_372 = arith.constant true
        %not3A_373 = arith.xori %ge3A_371, %not3A_372 : i1
        %and3A_374 = arith.andi %or3A_369, %not3A_373 : i1
        %ne3A_375 = arith.cmpi ne, %add3A_324, %add3A_344 : i32
        %or3A_376 = arith.constant false
        %or3A_377 = arith.ori %or3A_376, %ne3A_375 : i1
        %or3A_378 = arith.constant false
        %or3A_379 = arith.ori %or3A_377, %or3A_378 : i1
        %ge3A_380 = arith.constant 63 : i32
        %ge3A_381 = arith.cmpi sge, %scan3A_311, %ge3A_380 : i32
        %not3A_382 = arith.constant true
        %not3A_383 = arith.xori %ge3A_381, %not3A_382 : i1
        %and3A_384 = arith.andi %or3A_379, %not3A_383 : i1
        %ne3A_385 = arith.cmpi ne, %add3A_324, %add3A_334 : i32
        %or3A_386 = arith.constant false
        %or3A_387 = arith.ori %or3A_386, %ne3A_385 : i1
        %or3A_388 = arith.ori %or3A_387, %eq3A_320 : i1
        %convert_element_type3A_389 = arith.extui %or3A_388 : i1 to i32
        %cond3A_390 = arith.constant 0 : i32
        %cond3A_391 = arith.cmpi ne, %convert_element_type3A_389, %cond3A_390 : i32
        scf.if %cond3A_391 {
          "tpu.trace_start"() <{level = 10 : i32, message = "ep_wait_in"}> : () -> ()
          %mul3A_761 = arith.constant 131072 : i32
          %mul3A_762 = arith.muli %mul3A_761, %add3A_324 : i32
          %rem3A_763 = arith.constant 2 : i32
          %rem3A_764 = arith.remui %scan3A_313, %rem3A_763 : i32
          %mul3A_765 = arith.constant 131072 : i32
          %mul3A_766 = arith.muli %rem3A_764, %mul3A_765 : i32
          %add3A_767 = arith.constant 0 : i32
          %add3A_768 = arith.addi %mul3A_766, %add3A_767 : i32
          %dma_wait3A_769 = tpu.memref_slice %run_scoped3A_185[%rem3A_764] : memref<2x!tpu.dma_semaphore, #tpu.memory_space<semaphore_mem>> -> memref<1x!tpu.dma_semaphore, #tpu.memory_space<semaphore_mem>>
          %dma_wait3A_770 = tpu.memref_squeeze %dma_wait3A_769 : memref<1x!tpu.dma_semaphore, #tpu.memory_space<semaphore_mem>> -> memref<!tpu.dma_semaphore, #tpu.memory_space<semaphore_mem>>
          %dma_wait3A_771 = tpu.memref_slice %run_scoped3A[%add3A_768] : memref<262144xf32, #tpu.memory_space<vmem>> -> memref<131072xf32, #tpu.memory_space<vmem>>
          %dma_wait3A_772 = tpu.memref_slice %arg0[%mul3A_762] : memref<8388608xf32, #tpu.memory_space<hbm>> -> memref<131072xf32, #tpu.memory_space<hbm>>
          tpu.wait_dma2 semaphore(%dma_wait3A_770 : memref<!tpu.dma_semaphore, #tpu.memory_space<semaphore_mem>>) src(%dma_wait3A_772 : memref<131072xf32, #tpu.memory_space<hbm>>) dst(%dma_wait3A_771 : memref<131072xf32, #tpu.memory_space<vmem>>)
          "tpu.trace_stop"() : () -> ()
        } else {
        }
        %ne3A_392 = arith.cmpi ne, %add3A_324, %add3A_334 : i32
        %or3A_393 = arith.constant false
        %or3A_394 = arith.ori %or3A_393, %ne3A_392 : i1
        %or3A_395 = arith.ori %or3A_394, %eq3A_320 : i1
        %convert_element_type3A_396 = arith.extui %or3A_395 : i1 to i32
        %cond3A_397 = arith.constant 0 : i32
        %cond3A_398 = arith.cmpi ne, %convert_element_type3A_396, %cond3A_397 : i32
        scf.if %cond3A_398 {
        } else {
        }
        %ne3A_399 = arith.cmpi ne, %add3A_324, %add3A_334 : i32
        %or3A_400 = arith.constant false
        %or3A_401 = arith.ori %or3A_400, %ne3A_399 : i1
        %or3A_402 = arith.constant false
        %or3A_403 = arith.ori %or3A_401, %or3A_402 : i1
        %or3A_404 = arith.ori %or3A_403, %eq3A_320 : i1
        %convert_element_type3A_405 = arith.extui %or3A_404 : i1 to i32
        %cond3A_406 = arith.constant 0 : i32
        %cond3A_407 = arith.cmpi ne, %convert_element_type3A_405, %cond3A_406 : i32
        scf.if %cond3A_407 {
        } else {
        }
        %rem3A_408 = arith.constant 2 : i32
        %rem3A_409 = arith.remui %scan3A_313, %rem3A_408 : i32
        %mul3A_410 = arith.constant 131072 : i32
        %mul3A_411 = arith.muli %rem3A_409, %mul3A_410 : i32
        %rem3A_412 = arith.constant 2 : i32
        %rem3A_413 = arith.remui %scan3A_314, %rem3A_412 : i32
        %mul3A_414 = arith.constant 131072 : i32
        %mul3A_415 = arith.muli %rem3A_413, %mul3A_414 : i32
        %rem3A_416 = arith.constant 2 : i32
        %rem3A_417 = arith.remui %scan3A_316, %rem3A_416 : i32
        "tpu.trace_start"() <{level = 10 : i32, message = "ep_run_kernel"}> : () -> ()
        %get3A_418 = arith.index_cast %mul3A_411 : i32 to index
        %get3A_419 = vector.load %run_scoped3A[%get3A_418] : memref<262144xf32, #tpu.memory_space<vmem>>, vector<131072xf32>
        %reshape3A = vector.shape_cast %get3A_419 : vector<131072xf32> to vector<1024x128xf32>
        %ge3A_420 = vector.broadcast %add3A_56 : vector<1x128xf32> to vector<1024x128xf32>
        %ge3A_421 = arith.cmpf oge, %reshape3A, %ge3A_420 : vector<1024x128xf32>
        %ge3A_422 = vector.broadcast %add3A_60 : vector<1x128xf32> to vector<1024x128xf32>
        %ge3A_423 = arith.cmpf oge, %reshape3A, %ge3A_422 : vector<1024x128xf32>
        %ge3A_424 = vector.broadcast %add3A_64 : vector<1x128xf32> to vector<1024x128xf32>
        %ge3A_425 = arith.cmpf oge, %reshape3A, %ge3A_424 : vector<1024x128xf32>
        %ge3A_426 = vector.broadcast %add3A_68 : vector<1x128xf32> to vector<1024x128xf32>
        %ge3A_427 = arith.cmpf oge, %reshape3A, %ge3A_426 : vector<1024x128xf32>
        %ge3A_428 = vector.broadcast %add3A_72 : vector<1x128xf32> to vector<1024x128xf32>
        %ge3A_429 = arith.cmpf oge, %reshape3A, %ge3A_428 : vector<1024x128xf32>
        %ge3A_430 = vector.broadcast %add3A_76 : vector<1x128xf32> to vector<1024x128xf32>
        %ge3A_431 = arith.cmpf oge, %reshape3A, %ge3A_430 : vector<1024x128xf32>
        %ge3A_432 = vector.broadcast %add3A_80 : vector<1x128xf32> to vector<1024x128xf32>
        %ge3A_433 = arith.cmpf oge, %reshape3A, %ge3A_432 : vector<1024x128xf32>
        %broadcast_in_dim3A_434 = vector.shape_cast %broadcast_in_dim3A_52 : vector<1x128xf32> to vector<1x128xf32>
        %broadcast_in_dim3A_435 = vector.broadcast %broadcast_in_dim3A_434 : vector<1x128xf32> to vector<1024x128xf32>
        %broadcast_in_dim3A_436 = vector.shape_cast %add3A_56 : vector<1x128xf32> to vector<1x128xf32>
        %broadcast_in_dim3A_437 = vector.broadcast %broadcast_in_dim3A_436 : vector<1x128xf32> to vector<1024x128xf32>
        %select_n3A_438 = arith.select %ge3A_421, %broadcast_in_dim3A_437, %broadcast_in_dim3A_435 : vector<1024x128xi1>, vector<1024x128xf32>
        %broadcast_in_dim3A_439 = vector.shape_cast %add3A_60 : vector<1x128xf32> to vector<1x128xf32>
        %broadcast_in_dim3A_440 = vector.broadcast %broadcast_in_dim3A_439 : vector<1x128xf32> to vector<1024x128xf32>
        %select_n3A_441 = arith.select %ge3A_423, %broadcast_in_dim3A_440, %select_n3A_438 : vector<1024x128xi1>, vector<1024x128xf32>
        %broadcast_in_dim3A_442 = vector.shape_cast %add3A_64 : vector<1x128xf32> to vector<1x128xf32>
        %broadcast_in_dim3A_443 = vector.broadcast %broadcast_in_dim3A_442 : vector<1x128xf32> to vector<1024x128xf32>
        %select_n3A_444 = arith.select %ge3A_425, %broadcast_in_dim3A_443, %select_n3A_441 : vector<1024x128xi1>, vector<1024x128xf32>
        %broadcast_in_dim3A_445 = vector.shape_cast %add3A_68 : vector<1x128xf32> to vector<1x128xf32>
        %broadcast_in_dim3A_446 = vector.broadcast %broadcast_in_dim3A_445 : vector<1x128xf32> to vector<1024x128xf32>
        %select_n3A_447 = arith.select %ge3A_427, %broadcast_in_dim3A_446, %select_n3A_444 : vector<1024x128xi1>, vector<1024x128xf32>
        %broadcast_in_dim3A_448 = vector.shape_cast %add3A_72 : vector<1x128xf32> to vector<1x128xf32>
        %broadcast_in_dim3A_449 = vector.broadcast %broadcast_in_dim3A_448 : vector<1x128xf32> to vector<1024x128xf32>
        %select_n3A_450 = arith.select %ge3A_429, %broadcast_in_dim3A_449, %select_n3A_447 : vector<1024x128xi1>, vector<1024x128xf32>
        %broadcast_in_dim3A_451 = vector.shape_cast %add3A_76 : vector<1x128xf32> to vector<1x128xf32>
        %broadcast_in_dim3A_452 = vector.broadcast %broadcast_in_dim3A_451 : vector<1x128xf32> to vector<1024x128xf32>
        %select_n3A_453 = arith.select %ge3A_431, %broadcast_in_dim3A_452, %select_n3A_450 : vector<1024x128xi1>, vector<1024x128xf32>
        %broadcast_in_dim3A_454 = vector.shape_cast %add3A_80 : vector<1x128xf32> to vector<1x128xf32>
        %broadcast_in_dim3A_455 = vector.broadcast %broadcast_in_dim3A_454 : vector<1x128xf32> to vector<1024x128xf32>
        %select_n3A_456 = arith.select %ge3A_433, %broadcast_in_dim3A_455, %select_n3A_453 : vector<1024x128xi1>, vector<1024x128xf32>
        %broadcast_in_dim3A_457 = vector.shape_cast %broadcast_in_dim3A_54 : vector<1x128xf32> to vector<1x128xf32>
        %broadcast_in_dim3A_458 = vector.broadcast %broadcast_in_dim3A_457 : vector<1x128xf32> to vector<1024x128xf32>
        %broadcast_in_dim3A_459 = vector.shape_cast %add3A_58 : vector<1x128xf32> to vector<1x128xf32>
        %broadcast_in_dim3A_460 = vector.broadcast %broadcast_in_dim3A_459 : vector<1x128xf32> to vector<1024x128xf32>
        %select_n3A_461 = arith.select %ge3A_421, %broadcast_in_dim3A_460, %broadcast_in_dim3A_458 : vector<1024x128xi1>, vector<1024x128xf32>
        %broadcast_in_dim3A_462 = vector.shape_cast %add3A_62 : vector<1x128xf32> to vector<1x128xf32>
        %broadcast_in_dim3A_463 = vector.broadcast %broadcast_in_dim3A_462 : vector<1x128xf32> to vector<1024x128xf32>
        %select_n3A_464 = arith.select %ge3A_423, %broadcast_in_dim3A_463, %select_n3A_461 : vector<1024x128xi1>, vector<1024x128xf32>
        %broadcast_in_dim3A_465 = vector.shape_cast %add3A_66 : vector<1x128xf32> to vector<1x128xf32>
        %broadcast_in_dim3A_466 = vector.broadcast %broadcast_in_dim3A_465 : vector<1x128xf32> to vector<1024x128xf32>
        %select_n3A_467 = arith.select %ge3A_425, %broadcast_in_dim3A_466, %select_n3A_464 : vector<1024x128xi1>, vector<1024x128xf32>
        %broadcast_in_dim3A_468 = vector.shape_cast %add3A_70 : vector<1x128xf32> to vector<1x128xf32>
        %broadcast_in_dim3A_469 = vector.broadcast %broadcast_in_dim3A_468 : vector<1x128xf32> to vector<1024x128xf32>
        %select_n3A_470 = arith.select %ge3A_427, %broadcast_in_dim3A_469, %select_n3A_467 : vector<1024x128xi1>, vector<1024x128xf32>
        %broadcast_in_dim3A_471 = vector.shape_cast %add3A_74 : vector<1x128xf32> to vector<1x128xf32>
        %broadcast_in_dim3A_472 = vector.broadcast %broadcast_in_dim3A_471 : vector<1x128xf32> to vector<1024x128xf32>
        %select_n3A_473 = arith.select %ge3A_429, %broadcast_in_dim3A_472, %select_n3A_470 : vector<1024x128xi1>, vector<1024x128xf32>
        %broadcast_in_dim3A_474 = vector.shape_cast %add3A_78 : vector<1x128xf32> to vector<1x128xf32>
        %broadcast_in_dim3A_475 = vector.broadcast %broadcast_in_dim3A_474 : vector<1x128xf32> to vector<1024x128xf32>
        %select_n3A_476 = arith.select %ge3A_431, %broadcast_in_dim3A_475, %select_n3A_473 : vector<1024x128xi1>, vector<1024x128xf32>
        %broadcast_in_dim3A_477 = vector.shape_cast %add3A_82 : vector<1x128xf32> to vector<1x128xf32>
        %broadcast_in_dim3A_478 = vector.broadcast %broadcast_in_dim3A_477 : vector<1x128xf32> to vector<1024x128xf32>
        %select_n3A_479 = arith.select %ge3A_433, %broadcast_in_dim3A_478, %select_n3A_476 : vector<1024x128xi1>, vector<1024x128xf32>
        %broadcast_in_dim3A_480 = vector.shape_cast %slice3A_83 : vector<1x128xf32> to vector<1x128xf32>
        %broadcast_in_dim3A_481 = vector.broadcast %broadcast_in_dim3A_480 : vector<1x128xf32> to vector<1024x128xf32>
        %broadcast_in_dim3A_482 = vector.shape_cast %slice3A_84 : vector<1x128xf32> to vector<1x128xf32>
        %broadcast_in_dim3A_483 = vector.broadcast %broadcast_in_dim3A_482 : vector<1x128xf32> to vector<1024x128xf32>
        %select_n3A_484 = arith.select %ge3A_421, %broadcast_in_dim3A_483, %broadcast_in_dim3A_481 : vector<1024x128xi1>, vector<1024x128xf32>
        %broadcast_in_dim3A_485 = vector.shape_cast %slice3A_85 : vector<1x128xf32> to vector<1x128xf32>
        %broadcast_in_dim3A_486 = vector.broadcast %broadcast_in_dim3A_485 : vector<1x128xf32> to vector<1024x128xf32>
        %select_n3A_487 = arith.select %ge3A_423, %broadcast_in_dim3A_486, %select_n3A_484 : vector<1024x128xi1>, vector<1024x128xf32>
        %broadcast_in_dim3A_488 = vector.shape_cast %slice3A_86 : vector<1x128xf32> to vector<1x128xf32>
        %broadcast_in_dim3A_489 = vector.broadcast %broadcast_in_dim3A_488 : vector<1x128xf32> to vector<1024x128xf32>
        %select_n3A_490 = arith.select %ge3A_425, %broadcast_in_dim3A_489, %select_n3A_487 : vector<1024x128xi1>, vector<1024x128xf32>
        %broadcast_in_dim3A_491 = vector.shape_cast %slice3A_87 : vector<1x128xf32> to vector<1x128xf32>
        %broadcast_in_dim3A_492 = vector.broadcast %broadcast_in_dim3A_491 : vector<1x128xf32> to vector<1024x128xf32>
        %select_n3A_493 = arith.select %ge3A_427, %broadcast_in_dim3A_492, %select_n3A_490 : vector<1024x128xi1>, vector<1024x128xf32>
        %broadcast_in_dim3A_494 = vector.shape_cast %slice3A_88 : vector<1x128xf32> to vector<1x128xf32>
        %broadcast_in_dim3A_495 = vector.broadcast %broadcast_in_dim3A_494 : vector<1x128xf32> to vector<1024x128xf32>
        %select_n3A_496 = arith.select %ge3A_429, %broadcast_in_dim3A_495, %select_n3A_493 : vector<1024x128xi1>, vector<1024x128xf32>
        %broadcast_in_dim3A_497 = vector.shape_cast %slice3A_89 : vector<1x128xf32> to vector<1x128xf32>
        %broadcast_in_dim3A_498 = vector.broadcast %broadcast_in_dim3A_497 : vector<1x128xf32> to vector<1024x128xf32>
        %select_n3A_499 = arith.select %ge3A_431, %broadcast_in_dim3A_498, %select_n3A_496 : vector<1024x128xi1>, vector<1024x128xf32>
        %broadcast_in_dim3A_500 = vector.shape_cast %slice3A_90 : vector<1x128xf32> to vector<1x128xf32>
        %broadcast_in_dim3A_501 = vector.broadcast %broadcast_in_dim3A_500 : vector<1x128xf32> to vector<1024x128xf32>
        %select_n3A_502 = arith.select %ge3A_433, %broadcast_in_dim3A_501, %select_n3A_499 : vector<1024x128xi1>, vector<1024x128xf32>
        %broadcast_in_dim3A_503 = vector.shape_cast %slice3A_84 : vector<1x128xf32> to vector<1x128xf32>
        %broadcast_in_dim3A_504 = vector.broadcast %broadcast_in_dim3A_503 : vector<1x128xf32> to vector<1024x128xf32>
        %broadcast_in_dim3A_505 = vector.shape_cast %slice3A_85 : vector<1x128xf32> to vector<1x128xf32>
        %broadcast_in_dim3A_506 = vector.broadcast %broadcast_in_dim3A_505 : vector<1x128xf32> to vector<1024x128xf32>
        %select_n3A_507 = arith.select %ge3A_421, %broadcast_in_dim3A_506, %broadcast_in_dim3A_504 : vector<1024x128xi1>, vector<1024x128xf32>
        %broadcast_in_dim3A_508 = vector.shape_cast %slice3A_86 : vector<1x128xf32> to vector<1x128xf32>
        %broadcast_in_dim3A_509 = vector.broadcast %broadcast_in_dim3A_508 : vector<1x128xf32> to vector<1024x128xf32>
        %select_n3A_510 = arith.select %ge3A_423, %broadcast_in_dim3A_509, %select_n3A_507 : vector<1024x128xi1>, vector<1024x128xf32>
        %broadcast_in_dim3A_511 = vector.shape_cast %slice3A_87 : vector<1x128xf32> to vector<1x128xf32>
        %broadcast_in_dim3A_512 = vector.broadcast %broadcast_in_dim3A_511 : vector<1x128xf32> to vector<1024x128xf32>
        %select_n3A_513 = arith.select %ge3A_425, %broadcast_in_dim3A_512, %select_n3A_510 : vector<1024x128xi1>, vector<1024x128xf32>
        %broadcast_in_dim3A_514 = vector.shape_cast %slice3A_88 : vector<1x128xf32> to vector<1x128xf32>
        %broadcast_in_dim3A_515 = vector.broadcast %broadcast_in_dim3A_514 : vector<1x128xf32> to vector<1024x128xf32>
        %select_n3A_516 = arith.select %ge3A_427, %broadcast_in_dim3A_515, %select_n3A_513 : vector<1024x128xi1>, vector<1024x128xf32>
        %broadcast_in_dim3A_517 = vector.shape_cast %slice3A_89 : vector<1x128xf32> to vector<1x128xf32>
        %broadcast_in_dim3A_518 = vector.broadcast %broadcast_in_dim3A_517 : vector<1x128xf32> to vector<1024x128xf32>
        %select_n3A_519 = arith.select %ge3A_429, %broadcast_in_dim3A_518, %select_n3A_516 : vector<1024x128xi1>, vector<1024x128xf32>
        %broadcast_in_dim3A_520 = vector.shape_cast %slice3A_90 : vector<1x128xf32> to vector<1x128xf32>
        %broadcast_in_dim3A_521 = vector.broadcast %broadcast_in_dim3A_520 : vector<1x128xf32> to vector<1024x128xf32>
        %select_n3A_522 = arith.select %ge3A_431, %broadcast_in_dim3A_521, %select_n3A_519 : vector<1024x128xi1>, vector<1024x128xf32>
        %broadcast_in_dim3A_523 = vector.shape_cast %slice3A_91 : vector<1x128xf32> to vector<1x128xf32>
        %broadcast_in_dim3A_524 = vector.broadcast %broadcast_in_dim3A_523 : vector<1x128xf32> to vector<1024x128xf32>
        %select_n3A_525 = arith.select %ge3A_433, %broadcast_in_dim3A_524, %select_n3A_522 : vector<1024x128xi1>, vector<1024x128xf32>
        %broadcast_in_dim3A_526 = vector.shape_cast %div3A_98 : vector<1x128xf32> to vector<1x128xf32>
        %broadcast_in_dim3A_527 = vector.broadcast %broadcast_in_dim3A_526 : vector<1x128xf32> to vector<1024x128xf32>
        %broadcast_in_dim3A_528 = vector.shape_cast %div3A_105 : vector<1x128xf32> to vector<1x128xf32>
        %broadcast_in_dim3A_529 = vector.broadcast %broadcast_in_dim3A_528 : vector<1x128xf32> to vector<1024x128xf32>
        %select_n3A_530 = arith.select %ge3A_421, %broadcast_in_dim3A_529, %broadcast_in_dim3A_527 : vector<1024x128xi1>, vector<1024x128xf32>
        %broadcast_in_dim3A_531 = vector.shape_cast %div3A_112 : vector<1x128xf32> to vector<1x128xf32>
        %broadcast_in_dim3A_532 = vector.broadcast %broadcast_in_dim3A_531 : vector<1x128xf32> to vector<1024x128xf32>
        %select_n3A_533 = arith.select %ge3A_423, %broadcast_in_dim3A_532, %select_n3A_530 : vector<1024x128xi1>, vector<1024x128xf32>
        %broadcast_in_dim3A_534 = vector.shape_cast %div3A_119 : vector<1x128xf32> to vector<1x128xf32>
        %broadcast_in_dim3A_535 = vector.broadcast %broadcast_in_dim3A_534 : vector<1x128xf32> to vector<1024x128xf32>
        %select_n3A_536 = arith.select %ge3A_425, %broadcast_in_dim3A_535, %select_n3A_533 : vector<1024x128xi1>, vector<1024x128xf32>
        %broadcast_in_dim3A_537 = vector.shape_cast %div3A_126 : vector<1x128xf32> to vector<1x128xf32>
        %broadcast_in_dim3A_538 = vector.broadcast %broadcast_in_dim3A_537 : vector<1x128xf32> to vector<1024x128xf32>
        %select_n3A_539 = arith.select %ge3A_427, %broadcast_in_dim3A_538, %select_n3A_536 : vector<1024x128xi1>, vector<1024x128xf32>
        %broadcast_in_dim3A_540 = vector.shape_cast %div3A_133 : vector<1x128xf32> to vector<1x128xf32>
        %broadcast_in_dim3A_541 = vector.broadcast %broadcast_in_dim3A_540 : vector<1x128xf32> to vector<1024x128xf32>
        %select_n3A_542 = arith.select %ge3A_429, %broadcast_in_dim3A_541, %select_n3A_539 : vector<1024x128xi1>, vector<1024x128xf32>
        %broadcast_in_dim3A_543 = vector.shape_cast %div3A_140 : vector<1x128xf32> to vector<1x128xf32>
        %broadcast_in_dim3A_544 = vector.broadcast %broadcast_in_dim3A_543 : vector<1x128xf32> to vector<1024x128xf32>
        %select_n3A_545 = arith.select %ge3A_431, %broadcast_in_dim3A_544, %select_n3A_542 : vector<1024x128xi1>, vector<1024x128xf32>
        %broadcast_in_dim3A_546 = vector.shape_cast %div3A_147 : vector<1x128xf32> to vector<1x128xf32>
        %broadcast_in_dim3A_547 = vector.broadcast %broadcast_in_dim3A_546 : vector<1x128xf32> to vector<1024x128xf32>
        %select_n3A_548 = arith.select %ge3A_433, %broadcast_in_dim3A_547, %select_n3A_545 : vector<1024x128xi1>, vector<1024x128xf32>
        %broadcast_in_dim3A_549 = vector.shape_cast %slice3A_148 : vector<1x128xf32> to vector<1x128xf32>
        %broadcast_in_dim3A_550 = vector.broadcast %broadcast_in_dim3A_549 : vector<1x128xf32> to vector<1024x128xf32>
        %broadcast_in_dim3A_551 = vector.shape_cast %slice3A_149 : vector<1x128xf32> to vector<1x128xf32>
        %broadcast_in_dim3A_552 = vector.broadcast %broadcast_in_dim3A_551 : vector<1x128xf32> to vector<1024x128xf32>
        %select_n3A_553 = arith.select %ge3A_421, %broadcast_in_dim3A_552, %broadcast_in_dim3A_550 : vector<1024x128xi1>, vector<1024x128xf32>
        %broadcast_in_dim3A_554 = vector.shape_cast %slice3A_150 : vector<1x128xf32> to vector<1x128xf32>
        %broadcast_in_dim3A_555 = vector.broadcast %broadcast_in_dim3A_554 : vector<1x128xf32> to vector<1024x128xf32>
        %select_n3A_556 = arith.select %ge3A_423, %broadcast_in_dim3A_555, %select_n3A_553 : vector<1024x128xi1>, vector<1024x128xf32>
        %broadcast_in_dim3A_557 = vector.shape_cast %slice3A_151 : vector<1x128xf32> to vector<1x128xf32>
        %broadcast_in_dim3A_558 = vector.broadcast %broadcast_in_dim3A_557 : vector<1x128xf32> to vector<1024x128xf32>
        %select_n3A_559 = arith.select %ge3A_425, %broadcast_in_dim3A_558, %select_n3A_556 : vector<1024x128xi1>, vector<1024x128xf32>
        %broadcast_in_dim3A_560 = vector.shape_cast %slice3A_152 : vector<1x128xf32> to vector<1x128xf32>
        %broadcast_in_dim3A_561 = vector.broadcast %broadcast_in_dim3A_560 : vector<1x128xf32> to vector<1024x128xf32>
        %select_n3A_562 = arith.select %ge3A_427, %broadcast_in_dim3A_561, %select_n3A_559 : vector<1024x128xi1>, vector<1024x128xf32>
        %broadcast_in_dim3A_563 = vector.shape_cast %slice3A_153 : vector<1x128xf32> to vector<1x128xf32>
        %broadcast_in_dim3A_564 = vector.broadcast %broadcast_in_dim3A_563 : vector<1x128xf32> to vector<1024x128xf32>
        %select_n3A_565 = arith.select %ge3A_429, %broadcast_in_dim3A_564, %select_n3A_562 : vector<1024x128xi1>, vector<1024x128xf32>
        %broadcast_in_dim3A_566 = vector.shape_cast %slice3A_154 : vector<1x128xf32> to vector<1x128xf32>
        %broadcast_in_dim3A_567 = vector.broadcast %broadcast_in_dim3A_566 : vector<1x128xf32> to vector<1024x128xf32>
        %select_n3A_568 = arith.select %ge3A_431, %broadcast_in_dim3A_567, %select_n3A_565 : vector<1024x128xi1>, vector<1024x128xf32>
        %broadcast_in_dim3A_569 = vector.shape_cast %slice3A_155 : vector<1x128xf32> to vector<1x128xf32>
        %broadcast_in_dim3A_570 = vector.broadcast %broadcast_in_dim3A_569 : vector<1x128xf32> to vector<1024x128xf32>
        %select_n3A_571 = arith.select %ge3A_433, %broadcast_in_dim3A_570, %select_n3A_568 : vector<1024x128xi1>, vector<1024x128xf32>
        %mul3A_572 = arith.mulf %select_n3A_571, %select_n3A_548 : vector<1024x128xf32>
        %sub3A_573 = arith.subf %reshape3A, %select_n3A_456 : vector<1024x128xf32>
        %mul3A_574 = arith.mulf %sub3A_573, %select_n3A_548 : vector<1024x128xf32>
        %jit3A_575 = arith.constant 0.000000e+00 : f32
        %jit3A_576 = arith.constant 1.000000e+00 : f32
        %max3A_577 = vector.broadcast %jit3A_575 : f32 to vector<1024x128xf32>
        %max3A_578 = arith.maximumf %max3A_577, %mul3A_574 : vector<1024x128xf32>
        %min3A = vector.broadcast %jit3A_576 : f32 to vector<1024x128xf32>
        %min3A_579 = arith.minimumf %min3A, %max3A_578 : vector<1024x128xf32>
        %sub3A_580 = arith.constant 1.000000e+00 : f32
        %sub3A_581 = vector.broadcast %sub3A_580 : f32 to vector<1024x128xf32>
        %sub3A_582 = arith.subf %sub3A_581, %min3A_579 : vector<1024x128xf32>
        %mul3A_583 = arith.mulf %min3A_579, %sub3A_582 : vector<1024x128xf32>
        %mul3A_584 = arith.mulf %min3A_579, %min3A_579 : vector<1024x128xf32>
        %mul3A_585 = arith.mulf %mul3A_572, %mul3A_584 : vector<1024x128xf32>
        %mul3A_586 = arith.mulf %select_n3A_502, %mul3A_583 : vector<1024x128xf32>
        %add3A_587 = arith.addf %mul3A_585, %mul3A_586 : vector<1024x128xf32>
        %add3A_588 = arith.addf %select_n3A_525, %select_n3A_502 : vector<1024x128xf32>
        %mul3A_589 = arith.constant 2.000000e+00 : f32
        %mul3A_590 = vector.broadcast %mul3A_589 : f32 to vector<1024x128xf32>
        %mul3A_591 = arith.mulf %mul3A_590, %mul3A_572 : vector<1024x128xf32>
        %sub3A_592 = arith.subf %add3A_588, %mul3A_591 : vector<1024x128xf32>
        %mul3A_593 = arith.mulf %sub3A_592, %mul3A_583 : vector<1024x128xf32>
        %add3A_594 = arith.addf %mul3A_572, %mul3A_593 : vector<1024x128xf32>
        %abs3A_595 = math.absf %add3A_594 : vector<1024x128xf32>
        %max3A_596 = arith.constant 9.99999993E-9 : f32
        %max3A_597 = vector.broadcast %max3A_596 : f32 to vector<1024x128xf32>
        %max3A_598 = arith.maximumf %abs3A_595, %max3A_597 : vector<1024x128xf32>
        %sign3A_599 = tpu.bitcast %add3A_594 : vector<1024x128xf32> -> vector<1024x128xi32>
        %sign3A_600 = arith.constant -2147483648 : i32
        %sign3A_601 = vector.broadcast %sign3A_600 : i32 to vector<1024x128xi32>
        %sign3A_602 = arith.andi %sign3A_599, %sign3A_601 : vector<1024x128xi32>
        %sign3A_603 = arith.constant 1065353216 : i32
        %sign3A_604 = vector.broadcast %sign3A_603 : i32 to vector<1024x128xi32>
        %sign3A_605 = arith.ori %sign3A_604, %sign3A_602 : vector<1024x128xi32>
        %sign3A_606 = tpu.bitcast %sign3A_605 : vector<1024x128xi32> -> vector<1024x128xf32>
        %sign3A_607 = math.absf %add3A_594 : vector<1024x128xf32>
        %sign3A_608 = arith.constant 0.000000e+00 : f32
        %sign3A_609 = vector.broadcast %sign3A_608 : f32 to vector<1024x128xf32>
        %sign3A_610 = arith.cmpf ogt, %sign3A_607, %sign3A_609 : vector<1024x128xf32>
        %sign3A_611 = arith.select %sign3A_610, %sign3A_606, %add3A_594 : vector<1024x128xi1>, vector<1024x128xf32>
        %mul3A_612 = arith.mulf %max3A_598, %sign3A_611 : vector<1024x128xf32>
        %div3A_613 = arith.constant 1.000000e+00 : f32
        %div3A_614 = vector.broadcast %div3A_613 : f32 to vector<1024x128xf32>
        %div3A_615 = arith.divf %div3A_614, %mul3A_612 : vector<1024x128xf32>
        %mul3A_616 = arith.mulf %add3A_587, %div3A_615 : vector<1024x128xf32>
        %mul3A_617 = arith.mulf %select_n3A_571, %mul3A_616 : vector<1024x128xf32>
        %add3A_618 = arith.addf %select_n3A_479, %mul3A_617 : vector<1024x128xf32>
        %mul3A_619 = arith.mulf %mul3A_572, %mul3A_572 : vector<1024x128xf32>
        %mul3A_620 = arith.mulf %select_n3A_525, %mul3A_584 : vector<1024x128xf32>
        %mul3A_621 = arith.constant 2.000000e+00 : f32
        %mul3A_622 = vector.broadcast %mul3A_621 : f32 to vector<1024x128xf32>
        %mul3A_623 = arith.mulf %mul3A_622, %mul3A_572 : vector<1024x128xf32>
        %mul3A_624 = arith.mulf %mul3A_623, %mul3A_583 : vector<1024x128xf32>
        %add3A_625 = arith.addf %mul3A_620, %mul3A_624 : vector<1024x128xf32>
        %mul3A_626 = arith.mulf %sub3A_582, %sub3A_582 : vector<1024x128xf32>
        %mul3A_627 = arith.mulf %select_n3A_502, %mul3A_626 : vector<1024x128xf32>
        %add3A_628 = arith.addf %add3A_625, %mul3A_627 : vector<1024x128xf32>
        %mul3A_629 = arith.mulf %mul3A_619, %add3A_628 : vector<1024x128xf32>
        %mul3A_630 = arith.mulf %mul3A_629, %div3A_615 : vector<1024x128xf32>
        %mul3A_631 = arith.mulf %mul3A_630, %div3A_615 : vector<1024x128xf32>
        %max3A_632 = arith.constant 9.99999993E-9 : f32
        %max3A_633 = vector.broadcast %max3A_632 : f32 to vector<1024x128xf32>
        %max3A_634 = arith.maximumf %mul3A_631, %max3A_633 : vector<1024x128xf32>
        %lt3A = arith.constant -3.000000e+00 : f32
        %lt3A_635 = vector.broadcast %lt3A : f32 to vector<1024x128xf32>
        %lt3A_636 = arith.cmpf olt, %reshape3A, %lt3A_635 : vector<1024x128xf32>
        %gt3A = arith.constant 3.000000e+00 : f32
        %gt3A_637 = vector.broadcast %gt3A : f32 to vector<1024x128xf32>
        %gt3A_638 = arith.cmpf ogt, %reshape3A, %gt3A_637 : vector<1024x128xf32>
        %broadcast_in_dim3A_639 = vector.shape_cast %slice3A_83 : vector<1x128xf32> to vector<1x128xf32>
        %broadcast_in_dim3A_640 = vector.broadcast %broadcast_in_dim3A_639 : vector<1x128xf32> to vector<1024x128xf32>
        %broadcast_in_dim3A_641 = vector.shape_cast %slice3A_91 : vector<1x128xf32> to vector<1x128xf32>
        %broadcast_in_dim3A_642 = vector.broadcast %broadcast_in_dim3A_641 : vector<1x128xf32> to vector<1024x128xf32>
        %sub3A_643 = arith.constant -3.000000e+00 : f32
        %sub3A_644 = vector.broadcast %sub3A_643 : f32 to vector<1024x128xf32>
        %sub3A_645 = arith.subf %reshape3A, %sub3A_644 : vector<1024x128xf32>
        %mul3A_646 = arith.mulf %sub3A_645, %broadcast_in_dim3A_640 : vector<1024x128xf32>
        %add3A_647 = arith.constant -3.000000e+00 : f32
        %add3A_648 = vector.broadcast %add3A_647 : f32 to vector<1024x128xf32>
        %add3A_649 = arith.addf %mul3A_646, %add3A_648 : vector<1024x128xf32>
        %sub3A_650 = arith.constant 3.000000e+00 : f32
        %sub3A_651 = vector.broadcast %sub3A_650 : f32 to vector<1024x128xf32>
        %sub3A_652 = arith.subf %reshape3A, %sub3A_651 : vector<1024x128xf32>
        %mul3A_653 = arith.mulf %sub3A_652, %broadcast_in_dim3A_642 : vector<1024x128xf32>
        %add3A_654 = arith.constant 3.000000e+00 : f32
        %add3A_655 = vector.broadcast %add3A_654 : f32 to vector<1024x128xf32>
        %add3A_656 = arith.addf %mul3A_653, %add3A_655 : vector<1024x128xf32>
        %select_n3A_657 = arith.select %gt3A_638, %add3A_656, %add3A_618 : vector<1024x128xi1>, vector<1024x128xf32>
        %select_n3A_658 = arith.select %lt3A_636, %add3A_649, %select_n3A_657 : vector<1024x128xi1>, vector<1024x128xf32>
        %reshape3A_659 = vector.shape_cast %select_n3A_658 : vector<1024x128xf32> to vector<131072xf32>
        %swap3A = arith.index_cast %mul3A_415 : i32 to index
        %swap3A_660 = vector.load %run_scoped3A_186[%swap3A] : memref<262144xf32, #tpu.memory_space<vmem>>, vector<131072xf32>
        tpu.vector_store %run_scoped3A_186[%swap3A], %reshape3A_659 {strides = array<i32>} : memref<262144xf32, #tpu.memory_space<vmem>>, vector<131072xf32>,
        %select_n3A_661 = arith.select %gt3A_638, %broadcast_in_dim3A_642, %max3A_634 : vector<1024x128xi1>, vector<1024x128xf32>
        %select_n3A_662 = arith.select %lt3A_636, %broadcast_in_dim3A_640, %select_n3A_661 : vector<1024x128xi1>, vector<1024x128xf32>
        %log3A = math.log %select_n3A_662 : vector<1024x128xf32>
        %dot_general3A = arith.constant dense<0.000000e+00> : vector<1024x8xf32>
        %dot_general3A_663 = tpu.matmul %log3A, %convert_element_type3A_184, %dot_general3A {dimension_numbers = #tpu.dot_dimension_numbers<[1], [0], [0], [1], [0, 0, 1, 1], [], []>, precision = #tpu.contract_precision<fp32>, transpose_lhs_hint = false} : vector<1024x128xf32>, vector<128x8xf32>, vector<1024x8xf32> -> vector<1024x8xf32>
        %swap3A_664 = arith.index_cast %rem3A_417 : i32 to index
        %swap3A_665 = arith.constant 0 : index
        %swap3A_666 = arith.constant 0 : index
        %swap3A_667 = vector.load %run_scoped3A_188[%swap3A_664, %swap3A_665, %swap3A_666] : memref<2x1024x8xf32, #tpu.memory_space<vmem>>, vector<1x1024x8xf32>
        %swap3A_668 = vector.shape_cast %swap3A_667 : vector<1x1024x8xf32> to vector<1024x8xf32>
        %swap3A_669 = vector.shape_cast %dot_general3A_663 : vector<1024x8xf32> to vector<1x1024x8xf32>
        tpu.vector_store %run_scoped3A_188[%swap3A_664, %swap3A_665, %swap3A_666], %swap3A_669 {strides = array<i32>} : memref<2x1024x8xf32, #tpu.memory_space<vmem>>, vector<1x1024x8xf32>,
        "tpu.trace_stop"() : () -> ()
        %ne3A_670 = arith.cmpi ne, %add3A_324, %add3A_344 : i32
        %or3A_671 = arith.constant false
        %or3A_672 = arith.ori %or3A_671, %ne3A_670 : i1
        %or3A_673 = arith.ori %or3A_672, %eq3A_322 : i1
        %convert_element_type3A_674 = arith.extui %or3A_673 : i1 to i32
        %cond3A_675 = arith.constant 0 : i32
        %cond3A_676 = arith.cmpi ne, %convert_element_type3A_674, %cond3A_675 : i32
        scf.if %cond3A_676 {
        } else {
        }
        %and3A_677 = arith.constant false
        %and3A_678 = arith.andi %or3A_673, %and3A_677 : i1
        %ne3A_679 = arith.cmpi ne, %add3A_324, %add3A_344 : i32
        %or3A_680 = arith.constant false
        %or3A_681 = arith.ori %or3A_680, %ne3A_679 : i1
        %or3A_682 = arith.ori %or3A_681, %eq3A_322 : i1
        %convert_element_type3A_683 = arith.extui %or3A_682 : i1 to i32
        %cond3A_684 = arith.constant 0 : i32
        %cond3A_685 = arith.cmpi ne, %convert_element_type3A_683, %cond3A_684 : i32
        scf.if %cond3A_685 {
          "tpu.trace_start"() <{level = 10 : i32, message = "ep_copy_out"}> : () -> ()
          %rem3A_761 = arith.constant 2 : i32
          %rem3A_762 = arith.remui %scan3A_314, %rem3A_761 : i32
          %mul3A_763 = arith.constant 131072 : i32
          %mul3A_764 = arith.muli %mul3A_763, %add3A_324 : i32
          %mul3A_765 = arith.constant 131072 : i32
          %mul3A_766 = arith.muli %rem3A_762, %mul3A_765 : i32
          %add3A_767 = arith.constant 0 : i32
          %add3A_768 = arith.addi %mul3A_766, %add3A_767 : i32
          %dma_start3A_769 = tpu.memref_slice %run_scoped3A_187[%rem3A_762] : memref<2x!tpu.dma_semaphore, #tpu.memory_space<semaphore_mem>> -> memref<1x!tpu.dma_semaphore, #tpu.memory_space<semaphore_mem>>
          %dma_start3A_770 = tpu.memref_squeeze %dma_start3A_769 : memref<1x!tpu.dma_semaphore, #tpu.memory_space<semaphore_mem>> -> memref<!tpu.dma_semaphore, #tpu.memory_space<semaphore_mem>>
          %dma_start3A_771 = tpu.memref_slice %arg2[%mul3A_764] : memref<8388608xf32, #tpu.memory_space<hbm>> -> memref<131072xf32, #tpu.memory_space<hbm>>
          %dma_start3A_772 = tpu.memref_slice %run_scoped3A_186[%add3A_768] : memref<262144xf32, #tpu.memory_space<vmem>> -> memref<131072xf32, #tpu.memory_space<vmem>>
          tpu.enqueue_dma source(%dma_start3A_772 : memref<131072xf32, #tpu.memory_space<vmem>>) target(%dma_start3A_771 : memref<131072xf32, #tpu.memory_space<hbm>>) target_semaphore(%dma_start3A_770 : memref<!tpu.dma_semaphore, #tpu.memory_space<semaphore_mem>>)
          "tpu.trace_stop"() : () -> ()
        } else {
        }
        %and3A_686 = arith.constant true
        %and3A_687 = arith.andi %or3A_682, %and3A_686 : i1
        %add3A_688 = arith.constant 1 : i32
        %add3A_689 = arith.addi %scan3A_314, %add3A_688 : i32
        %select_n3A_690 = arith.select %and3A_687, %add3A_689, %scan3A_314 : i32
        %ne3A_691 = arith.cmpi ne, %add3A_324, %add3A_344 : i32
        %or3A_692 = arith.constant false
        %or3A_693 = arith.ori %or3A_692, %ne3A_691 : i1
        %or3A_694 = arith.constant false
        %or3A_695 = arith.ori %or3A_693, %or3A_694 : i1
        %or3A_696 = arith.ori %or3A_695, %eq3A_322 : i1
        %convert_element_type3A_697 = arith.extui %or3A_696 : i1 to i32
        %cond3A_698 = arith.constant 0 : i32
        %cond3A_699 = arith.cmpi ne, %convert_element_type3A_697, %cond3A_698 : i32
        scf.if %cond3A_699 {
          "tpu.trace_start"() <{level = 10 : i32, message = "ep_copy_out"}> : () -> ()
          %rem3A_761 = arith.constant 2 : i32
          %rem3A_762 = arith.remui %scan3A_316, %rem3A_761 : i32
          %mul3A_763 = arith.constant 1024 : i32
          %mul3A_764 = arith.muli %mul3A_763, %add3A_324 : i32
          %dma_start3A_765 = tpu.memref_slice %run_scoped3A_189[%rem3A_762] : memref<2x!tpu.dma_semaphore, #tpu.memory_space<semaphore_mem>> -> memref<1x!tpu.dma_semaphore, #tpu.memory_space<semaphore_mem>>
          %dma_start3A_766 = tpu.memref_squeeze %dma_start3A_765 : memref<1x!tpu.dma_semaphore, #tpu.memory_space<semaphore_mem>> -> memref<!tpu.dma_semaphore, #tpu.memory_space<semaphore_mem>>
          %dma_start3A_767 = arith.constant 0 : i32
          %dma_start3A_768 = tpu.memref_slice %arg3[%mul3A_764, %dma_start3A_767] : memref<65536x8xf32, #tpu.memory_space<hbm>> -> memref<1024x8xf32, #tpu.memory_space<hbm>>
          %dma_start3A_769 = arith.constant 0 : i32
          %dma_start3A_770 = arith.constant 0 : i32
          %dma_start3A_771 = tpu.memref_slice %run_scoped3A_188[%rem3A_762, %dma_start3A_769, %dma_start3A_770] : memref<2x1024x8xf32, #tpu.memory_space<vmem>> -> memref<1x1024x8xf32, #tpu.memory_space<vmem>>
          %dma_start3A_772 = tpu.memref_squeeze %dma_start3A_771 : memref<1x1024x8xf32, #tpu.memory_space<vmem>> -> memref<1024x8xf32, #tpu.memory_space<vmem>>
          tpu.enqueue_dma source(%dma_start3A_772 : memref<1024x8xf32, #tpu.memory_space<vmem>>) target(%dma_start3A_768 : memref<1024x8xf32, #tpu.memory_space<hbm>>) target_semaphore(%dma_start3A_766 : memref<!tpu.dma_semaphore, #tpu.memory_space<semaphore_mem>>)
          "tpu.trace_stop"() : () -> ()
        } else {
        }
        %and3A_700 = arith.constant true
        %and3A_701 = arith.andi %or3A_696, %and3A_700 : i1
        %add3A_702 = arith.constant 1 : i32
        %add3A_703 = arith.addi %scan3A_316, %add3A_702 : i32
        %select_n3A_704 = arith.select %and3A_701, %add3A_703, %scan3A_316 : i32
        %ne3A_705 = arith.cmpi ne, %add3A_324, %add3A_334 : i32
        %or3A_706 = arith.constant false
        %or3A_707 = arith.ori %or3A_706, %ne3A_705 : i1
        %not3A_708 = arith.constant true
        %not3A_709 = arith.xori %eq3A_320, %not3A_708 : i1
        %and3A_710 = arith.andi %or3A_707, %not3A_709 : i1
        %convert_element_type3A_711 = arith.extui %and3A_710 : i1 to i32
        %cond3A_712 = arith.constant 0 : i32
        %cond3A_713 = arith.cmpi ne, %convert_element_type3A_711, %cond3A_712 : i32
        scf.if %cond3A_713 {
        } else {
        }
        %and3A_714 = arith.constant false
        %and3A_715 = arith.andi %and3A_710, %and3A_714 : i1
        %ne3A_716 = arith.cmpi ne, %add3A_324, %add3A_334 : i32
        %or3A_717 = arith.constant false
        %or3A_718 = arith.ori %or3A_717, %ne3A_716 : i1
        %not3A_719 = arith.constant true
        %not3A_720 = arith.xori %eq3A_320, %not3A_719 : i1
        %and3A_721 = arith.andi %or3A_718, %not3A_720 : i1
        %convert_element_type3A_722 = arith.extui %and3A_721 : i1 to i32
        %cond3A_723 = arith.constant 0 : i32
        %cond3A_724 = arith.cmpi ne, %convert_element_type3A_722, %cond3A_723 : i32
        scf.if %cond3A_724 {
          "tpu.trace_start"() <{level = 10 : i32, message = "ep_wait_out"}> : () -> ()
          %rem3A_761 = arith.constant 2 : i32
          %rem3A_762 = arith.remui %scan3A_315, %rem3A_761 : i32
          %mul3A_763 = arith.constant 131072 : i32
          %mul3A_764 = arith.muli %mul3A_763, %add3A_334 : i32
          %mul3A_765 = arith.constant 131072 : i32
          %mul3A_766 = arith.muli %rem3A_762, %mul3A_765 : i32
          %add3A_767 = arith.constant 0 : i32
          %add3A_768 = arith.addi %mul3A_766, %add3A_767 : i32
          %dma_wait3A_769 = tpu.memref_slice %run_scoped3A_187[%rem3A_762] : memref<2x!tpu.dma_semaphore, #tpu.memory_space<semaphore_mem>> -> memref<1x!tpu.dma_semaphore, #tpu.memory_space<semaphore_mem>>
          %dma_wait3A_770 = tpu.memref_squeeze %dma_wait3A_769 : memref<1x!tpu.dma_semaphore, #tpu.memory_space<semaphore_mem>> -> memref<!tpu.dma_semaphore, #tpu.memory_space<semaphore_mem>>
          %dma_wait3A_771 = tpu.memref_slice %arg2[%mul3A_764] : memref<8388608xf32, #tpu.memory_space<hbm>> -> memref<131072xf32, #tpu.memory_space<hbm>>
          %dma_wait3A_772 = tpu.memref_slice %run_scoped3A_186[%add3A_768] : memref<262144xf32, #tpu.memory_space<vmem>> -> memref<131072xf32, #tpu.memory_space<vmem>>
          tpu.wait_dma2 semaphore(%dma_wait3A_770 : memref<!tpu.dma_semaphore, #tpu.memory_space<semaphore_mem>>) src(%dma_wait3A_772 : memref<131072xf32, #tpu.memory_space<vmem>>) dst(%dma_wait3A_771 : memref<131072xf32, #tpu.memory_space<hbm>>)
          "tpu.trace_stop"() : () -> ()
        } else {
        }
        %and3A_725 = arith.constant true
        %and3A_726 = arith.andi %and3A_721, %and3A_725 : i1
        %add3A_727 = arith.constant 1 : i32
        %add3A_728 = arith.addi %scan3A_315, %add3A_727 : i32
        %select_n3A_729 = arith.select %and3A_726, %add3A_728, %scan3A_315 : i32
        %ne3A_730 = arith.cmpi ne, %add3A_324, %add3A_334 : i32
        %or3A_731 = arith.constant false
        %or3A_732 = arith.ori %or3A_731, %ne3A_730 : i1
        %or3A_733 = arith.constant false
        %or3A_734 = arith.ori %or3A_732, %or3A_733 : i1
        %not3A_735 = arith.constant true
        %not3A_736 = arith.xori %eq3A_320, %not3A_735 : i1
        %and3A_737 = arith.andi %or3A_734, %not3A_736 : i1
        %convert_element_type3A_738 = arith.extui %and3A_737 : i1 to i32
        %cond3A_739 = arith.constant 0 : i32
        %cond3A_740 = arith.cmpi ne, %convert_element_type3A_738, %cond3A_739 : i32
        scf.if %cond3A_740 {
          "tpu.trace_start"() <{level = 10 : i32, message = "ep_wait_out"}> : () -> ()
          %rem3A_761 = arith.constant 2 : i32
          %rem3A_762 = arith.remui %scan3A_317, %rem3A_761 : i32
          %mul3A_763 = arith.constant 1024 : i32
          %mul3A_764 = arith.muli %mul3A_763, %add3A_334 : i32
          %dma_wait3A_765 = tpu.memref_slice %run_scoped3A_189[%rem3A_762] : memref<2x!tpu.dma_semaphore, #tpu.memory_space<semaphore_mem>> -> memref<1x!tpu.dma_semaphore, #tpu.memory_space<semaphore_mem>>
          %dma_wait3A_766 = tpu.memref_squeeze %dma_wait3A_765 : memref<1x!tpu.dma_semaphore, #tpu.memory_space<semaphore_mem>> -> memref<!tpu.dma_semaphore, #tpu.memory_space<semaphore_mem>>
          %dma_wait3A_767 = arith.constant 0 : i32
          %dma_wait3A_768 = tpu.memref_slice %arg3[%mul3A_764, %dma_wait3A_767] : memref<65536x8xf32, #tpu.memory_space<hbm>> -> memref<1024x8xf32, #tpu.memory_space<hbm>>
          %dma_wait3A_769 = arith.constant 0 : i32
          %dma_wait3A_770 = arith.constant 0 : i32
          %dma_wait3A_771 = tpu.memref_slice %run_scoped3A_188[%rem3A_762, %dma_wait3A_769, %dma_wait3A_770] : memref<2x1024x8xf32, #tpu.memory_space<vmem>> -> memref<1x1024x8xf32, #tpu.memory_space<vmem>>
          %dma_wait3A_772 = tpu.memref_squeeze %dma_wait3A_771 : memref<1x1024x8xf32, #tpu.memory_space<vmem>> -> memref<1024x8xf32, #tpu.memory_space<vmem>>
          tpu.wait_dma2 semaphore(%dma_wait3A_766 : memref<!tpu.dma_semaphore, #tpu.memory_space<semaphore_mem>>) src(%dma_wait3A_772 : memref<1024x8xf32, #tpu.memory_space<vmem>>) dst(%dma_wait3A_768 : memref<1024x8xf32, #tpu.memory_space<hbm>>)
          "tpu.trace_stop"() : () -> ()
        } else {
        }
        %and3A_741 = arith.constant true
        %and3A_742 = arith.andi %and3A_737, %and3A_741 : i1
        %add3A_743 = arith.constant 1 : i32
        %add3A_744 = arith.addi %scan3A_317, %add3A_743 : i32
        %select_n3A_745 = arith.select %and3A_742, %add3A_744, %scan3A_317 : i32
        %ne3A_746 = arith.cmpi ne, %add3A_324, %add3A_344 : i32
        %or3A_747 = arith.constant false
        %or3A_748 = arith.ori %or3A_747, %ne3A_746 : i1
        %or3A_749 = arith.ori %or3A_748, %eq3A_322 : i1
        %add3A_750 = arith.constant 1 : i32
        %add3A_751 = arith.addi %scan3A_313, %add3A_750 : i32
        %select_n3A_752 = arith.select %or3A_749, %add3A_751, %scan3A_313 : i32
        %add3A_753 = arith.constant 1 : i32
        %add3A_754 = arith.addi %scan3A_318, %add3A_753 : i32
        %select_n3A_755 = arith.constant true
        %select_n3A_756 = arith.select %select_n3A_755, %add3A_754, %scan3A_318 : i32
        %eq3A_757 = arith.constant 64 : i32
        %eq3A_758 = arith.cmpi eq, %select_n3A_756, %eq3A_757 : i32
        %select_n3A_759 = arith.constant 0 : i32
        %select_n3A_760 = arith.select %eq3A_758, %select_n3A_759, %select_n3A_756 : i32
        scf.yield %select_n3A_366, %select_n3A_752, %select_n3A_690, %select_n3A_729, %select_n3A_704, %select_n3A_745, %select_n3A_760 : i32, i32, i32, i32, i32, i32, i32
      }
      %scan3A_247 = arith.constant 64 : i32
      %sub3A_248 = arith.constant 1 : i32
      %sub3A_249 = arith.subi %scan3A_246#6, %sub3A_248 : i32
      %select_n3A_250 = arith.constant true
      %select_n3A_251 = arith.select %select_n3A_250, %sub3A_249, %scan3A_246#6 : i32
      %eq3A_252 = arith.constant -1 : i32
      %eq3A_253 = arith.cmpi eq, %select_n3A_251, %eq3A_252 : i32
      %select_n3A_254 = arith.constant 63 : i32
      %select_n3A_255 = arith.select %eq3A_253, %select_n3A_254, %select_n3A_251 : i32
      %add3A_256 = arith.constant 0 : i32
      %add3A_257 = arith.addi %select_n3A_255, %add3A_256 : i32
      %sub3A_258 = arith.constant 1 : i32
      %sub3A_259 = arith.subi %select_n3A_255, %sub3A_258 : i32
      %select_n3A_260 = arith.constant true
      %select_n3A_261 = arith.select %select_n3A_260, %sub3A_259, %select_n3A_255 : i32
      %eq3A_262 = arith.constant -1 : i32
      %eq3A_263 = arith.cmpi eq, %select_n3A_261, %eq3A_262 : i32
      %select_n3A_264 = arith.constant 63 : i32
      %select_n3A_265 = arith.select %eq3A_263, %select_n3A_264, %select_n3A_261 : i32
      %add3A_266 = arith.constant 0 : i32
      %add3A_267 = arith.addi %select_n3A_265, %add3A_266 : i32
      %add3A_268 = arith.constant 1 : i32
      %add3A_269 = arith.addi %select_n3A_255, %add3A_268 : i32
      %select_n3A_270 = arith.constant true
      %select_n3A_271 = arith.select %select_n3A_270, %add3A_269, %select_n3A_255 : i32
      %eq3A_272 = arith.constant 64 : i32
      %eq3A_273 = arith.cmpi eq, %select_n3A_271, %eq3A_272 : i32
      %select_n3A_274 = arith.constant 0 : i32
      %select_n3A_275 = arith.select %eq3A_273, %select_n3A_274, %select_n3A_271 : i32
      %add3A_276 = arith.constant 0 : i32
      %add3A_277 = arith.addi %select_n3A_275, %add3A_276 : i32
      %add3A_278 = arith.constant 1 : i32
      %add3A_279 = arith.addi %select_n3A_275, %add3A_278 : i32
      %select_n3A_280 = arith.constant true
      %select_n3A_281 = arith.select %select_n3A_280, %add3A_279, %select_n3A_275 : i32
      %eq3A_282 = arith.constant 64 : i32
      %eq3A_283 = arith.cmpi eq, %select_n3A_281, %eq3A_282 : i32
      %select_n3A_284 = arith.constant 0 : i32
      %select_n3A_285 = arith.select %eq3A_283, %select_n3A_284, %select_n3A_281 : i32
      %add3A_286 = arith.constant 0 : i32
      %add3A_287 = arith.addi %select_n3A_285, %add3A_286 : i32
      "tpu.trace_start"() <{level = 10 : i32, message = "ep_finalize"}> : () -> ()
      %rem3A_288 = arith.constant 2 : i32
      %rem3A_289 = arith.remui %scan3A_246#3, %rem3A_288 : i32
      %mul3A_290 = arith.constant 131072 : i32
      %mul3A_291 = arith.muli %mul3A_290, %add3A_257 : i32
      %mul3A_292 = arith.constant 131072 : i32
      %mul3A_293 = arith.muli %rem3A_289, %mul3A_292 : i32
      %add3A_294 = arith.constant 0 : i32
      %add3A_295 = arith.addi %mul3A_293, %add3A_294 : i32
      %dma_wait3A = tpu.memref_slice %run_scoped3A_187[%rem3A_289] : memref<2x!tpu.dma_semaphore, #tpu.memory_space<semaphore_mem>> -> memref<1x!tpu.dma_semaphore, #tpu.memory_space<semaphore_mem>>
      %dma_wait3A_296 = tpu.memref_squeeze %dma_wait3A : memref<1x!tpu.dma_semaphore, #tpu.memory_space<semaphore_mem>> -> memref<!tpu.dma_semaphore, #tpu.memory_space<semaphore_mem>>
      %dma_wait3A_297 = tpu.memref_slice %arg2[%mul3A_291] : memref<8388608xf32, #tpu.memory_space<hbm>> -> memref<131072xf32, #tpu.memory_space<hbm>>
      %dma_wait3A_298 = tpu.memref_slice %run_scoped3A_186[%add3A_295] : memref<262144xf32, #tpu.memory_space<vmem>> -> memref<131072xf32, #tpu.memory_space<vmem>>
      tpu.wait_dma2 semaphore(%dma_wait3A_296 : memref<!tpu.dma_semaphore, #tpu.memory_space<semaphore_mem>>) src(%dma_wait3A_298 : memref<131072xf32, #tpu.memory_space<vmem>>) dst(%dma_wait3A_297 : memref<131072xf32, #tpu.memory_space<hbm>>)
      %rem3A_299 = arith.constant 2 : i32
      %rem3A_300 = arith.remui %scan3A_246#5, %rem3A_299 : i32
      %mul3A_301 = arith.constant 1024 : i32
      %mul3A_302 = arith.muli %mul3A_301, %add3A_257 : i32
      %dma_wait3A_303 = tpu.memref_slice %run_scoped3A_189[%rem3A_300] : memref<2x!tpu.dma_semaphore, #tpu.memory_space<semaphore_mem>> -> memref<1x!tpu.dma_semaphore, #tpu.memory_space<semaphore_mem>>
      %dma_wait3A_304 = tpu.memref_squeeze %dma_wait3A_303 : memref<1x!tpu.dma_semaphore, #tpu.memory_space<semaphore_mem>> -> memref<!tpu.dma_semaphore, #tpu.memory_space<semaphore_mem>>
      %dma_wait3A_305 = arith.constant 0 : i32
      %dma_wait3A_306 = tpu.memref_slice %arg3[%mul3A_302, %dma_wait3A_305] : memref<65536x8xf32, #tpu.memory_space<hbm>> -> memref<1024x8xf32, #tpu.memory_space<hbm>>
      %dma_wait3A_307 = arith.constant 0 : i32
      %dma_wait3A_308 = arith.constant 0 : i32
      %dma_wait3A_309 = tpu.memref_slice %run_scoped3A_188[%rem3A_300, %dma_wait3A_307, %dma_wait3A_308] : memref<2x1024x8xf32, #tpu.memory_space<vmem>> -> memref<1x1024x8xf32, #tpu.memory_space<vmem>>
      %dma_wait3A_310 = tpu.memref_squeeze %dma_wait3A_309 : memref<1x1024x8xf32, #tpu.memory_space<vmem>> -> memref<1024x8xf32, #tpu.memory_space<vmem>>
      tpu.wait_dma2 semaphore(%dma_wait3A_304 : memref<!tpu.dma_semaphore, #tpu.memory_space<semaphore_mem>>) src(%dma_wait3A_310 : memref<1024x8xf32, #tpu.memory_space<vmem>>) dst(%dma_wait3A_306 : memref<1024x8xf32, #tpu.memory_space<hbm>>)
      "tpu.trace_stop"() : () -> ()
      tpu.yield
    }) : () -> ()
    return
  }
}

</mosaic_0001>

<sc_bundles>
// kernel: sparse-core-data-format-call.cloned.1.call-start
scs
called_computation_lowered:
.L_overlay_start_0:
0x0: {  	s2 =	sld [smem:$0x3FD9]  }
0x1: {  	s3 =	sld [smem:$0x3FFE];
	_ =	sdelay $0x1  }
0x2: {  	s1 =	srdreg.scid  }
0x3: {  	s0 =	sand.u32 $0x1, s1  }
0x4: {  	s15 =	sshll.u32 s0, $0xA;
	s2 =	sadd.s32 s3, s2  }
0x5: {  	s2 =	sadd.s32 s2, s15  }
0x6: {  	[smem:$0x3FC6] =	sst s2  }
0x7: {  	_ = 	snop  }
0x8: {  	s2 =	sld [smem:$0x3FD0];
	_ =	sdelay $0x2  }
0x9: {  	s16 =	simm.s32 $0xA;
	s4 =	simm.s32 $0x10  }
0xa: {  	[smem:s4], [sflag:s16] =	dma.local [hbm:s2], $0x1  }
0xb: {  	_ =	swait.eq [sflag:s16], $0x1  }
0xc: {  	[sflag:s16] =	ssyncset.done $0x0  }
0xd: {  	[sflag:s16] =	ssyncadd.s32 $0xFFFFFFFF  }
0xe: {  	s17 =	sld [smem:$0x10];
	(tm) =	ssettm $0x1  }
0xf: {  	s18 =	sld [smem:$0x3FFB];
	_ =	sdelay $0x3  }
0x10: {  	_ =	strace s18  }
0x11: {  	s3 =	sld [smem:$0x3FFC];
	_ =	sdelay $0x3  }
0x12: {  	_ =	strace s3  }
0x13: {  	s3 =	sld [smem:$0x3FFD];
	_ =	sdelay $0x3  }
0x14: {  	_ =	strace s3  }
0x15: {  	_ =	strace $0x8FFFFFFF  }
0x16: {  	s19 =	sld [smem:$0x3FDB];
	_ =	sdelay $0x1  }
0x17: {  	s20 =	simm.s32 $_scs_section_size  }
0x18: {  	s5 =	simm.s32 $_size__tile_overlayer_lowered;
	s6 =	simm.s32 $_tile_overlayer_lowered  }
0x19: {  	s23 =	simm.s32 $0x1BFF;
	s22 =	sshll.u32 s6, $0x1;
	s3 =	sadd.s32 s20, s19  }
0x1a: {  	s7 =	simm.s32 $0x0;
	s21 =	sshll.u32 s5, $0x1;
	s5 =	sadd.s32 s22, s3  }
0x1b: {  	[timem:s7], [sflag:s23] =	dma.local [hbm:s5], s21  }
0x1c: {  	_ =	swait.ge [sflag:s23], s21  }
0x1d: {  	s4 =	ssub.s32 $0x0, s21;
	[sflag:s23] =	ssyncset.done $0x0  }
0x1e: {  	[sflag:s23] =	ssyncadd.s32 s4;
	_ =	sdelay $0x1  }
0x1f: {  	s24 =	simm.s32 $0x1B8B  }
0x20: {  	_ =	swait.ge [sflag:s24], $0x1  }
0x21: {  	[sflag:s24] =	ssyncset.done $0x0  }
0x22: {  	s26 =	simm.s32 $0x1B8E;
	s25 =	sld [smem:$0x3FFE];
	[sflag:s24] =	ssyncadd.s32 $0xFFFFFFFF  }
0x23: {  	s27 =	simm.s32 $execute0_lowered;
	[smem:$0x3FD2] =	sst s26  }
0x24: {  	s5 =	sshll.u32 s27, $0x1;
	_ =	strace $0x80000046;
	[dreg:$0x1] =	wrdreg $0xFFFFFFFF  }
0x25: {  	s28 =	simm.s32 $_size_execute0_lowered;
	s3 =	sadd.s32 s3, s5;
	[dreg:$0x0] =	wrdreg $0x0  }
0x26: {  	s5 =	sshll.u32 s28, $0x1;
	[dreg:$0x2] =	wrdreg s3  }
0x27: {  	[dreg:$0x3] =	wrdreg s5  }
0x28: {  	[dreg:$0x4] =	wrdreg $0xC0  }
0x29: {  	_ =	task [dreg:s7], $0x5FFFF  }
0x2a: {  	[dreg:$0x1] =	wrdreg $0xFFFFFFFF  }
0x2b: {  	[dreg:$0x0] =	wrdreg $0x60  }
0x2c: {  	[dreg:$0x2] =	wrdreg s25  }
0x2d: {  	[dreg:$0x3] =	wrdreg s17  }
0x2e: {  	[dreg:$0x4] =	wrdreg $0x9  }
0x2f: {  	_ =	task.clear_ibuf [dreg:s7], $0x5FFFF;
	_ =	strace $0x90000046  }
0x30: {  	s29 =	simm.s32 $0x9;
	_ =	strace $0x80000048  }
0x31: {  	_ =	swait.ge [sflag:s29], $0x1  }
0x32: {  	[sflag:s29] =	ssyncadd.s32 $0xFFFFFFFF  }
0x33: {  	_ =	strace $0x90000048  }
0x34: {  	_ =	sfence  }
0x35: {  	s30 =	sld [smem:$0x0];
	_ =	sdelay $0x2  }
0x36: {  	s31 =	sshll.u32 s1, $0xD;
	s1 =	sshrl.u32 s1, $0x2  }
0x37: {  	s3 =	sand.u32 $0x4000, s31;
	s1 =	sadd.s32 s1, s30  }
0x38: {  	s0 =	sor.u32 s3, s0;
	s1 =	sshll.u32 s1, $0x11  }
0x39: {  	s0 =	sor.u32 s1, s0  }
0x3a: {  	s0 =	sadd.s32 $0x8F2B, s0  }
0x3b: {  	[sflag:s0] =	ssyncadd.remote.s32 $0x1  }
0x3c: {  	_ =	sfence.sel $0xFFFF  }
0x3d: {  	[dreg:$0x0] =	wrdreg $0xFFFFFFFF;
	(pc) =	sbr.abs _section_cstart, $3  }
0x3e: {  	[dreg:$0x1] =	wrdreg $0xFFFFFFFF  }
0x3f: {  	_ =	task.clear_ibuf [dreg:s7], $0x2FFFF;
	_ =	strace $0x9FFFFFFF  }
0x40: {  	(tm) =	ssettm $0x7FFFFFFF  }
0x41: {  	_ =	shalt  }
tec
execute0_lowered:
.L_overlay_start_1:
0x0: {  	(tag) =	ssettag $0x1  }
0x1: {  	s0 =	srdreg.scid  }
0x2: {  	s1 =	sshll.u32 s0, $0x4  }
0x3: {  	s4 =	rddreg [dreg:$0x0];
	s0 =	stileid.u32;
	s1 =	sand.u32 $0x10, s1  }
0x4: {  	s2 =	rddreg [dreg:$0x1];
	s7 =	simm.s32 $0x1;
	s1 =	sor.u32 s0, s1  }
0x5: {  	s8 =	simm.s32 $0x2;
	s11 =	simm.s32 $0x0;
	s3 =	sshll.u32 s1, $0x7  }
0x6: {  	s10 =	simm.s32 $0x0;
	s4 =	sadd.s32 $0x200800, s4;
	s6 =	ssub.s32 $0x80000, s3  }
.Ltmp0:
0x7: {  	s1 =	rddreg [dreg:$0x2];
	s5 =	sand.u32 $0xF80, s6;
	(pc) =	sbr.rel .LBB1_1-.Ltmp0, $4  }
0x8: {  	_ =	strace $0x80000047;
	s9 =	smov.u32 s3;
	p0 =	sne.s32 s5, $0x0  }
0x9: {  	s6 =	sshrl.u32 s6, $0xC;
	s5 =	simm.s32 $0x1;
	s7 =	simm.s32 @!p0 $0x0  }
0xa: {  	[sflag:s5] =	ssyncpa.u1 $0x0;
	p0 =	por $0x0, $0x0;
	s6 =	sadd.s32 s7, s6  }
0xb: {  	[sflag:s8] =	ssyncpa.u1 $0x0;
	s8 =	simm.s32 $0x400000;
	s7 =	sadd.s32 $0x1, s6  }
.LBB1_4:
0xc: {  	[tilespmem:s12+$0xFFFFFFFC ss:$0x81] =	vst.msk $0xffff, v2;
	s14 =	sshll.u32 s11, $0x3  }
0xd: {  	[tilespmem:s12+$0xFFFFFFFD ss:$0x81] =	vst.msk $0xffff, v3;
	s15 =	sand.u32 $0x78, s11;
	s14 =	sand.u32 $0x7FC00, s14  }
0xe: {  	[tilespmem:s12+$0xFFFFFFFE ss:$0x81] =	vst.msk $0xffff, v1;
	s29 =	sand.u32 $0xF0000, s11;
	s30 =	sand.u32 $0x7, s11;
	s14 =	sor.u32 s15, s14  }
0xf: {  	[tilespmem:s12+$0xFFFFFFFF ss:$0x81] =	vst.msk $0xffff, v4;
	s11 =	sshll.u32 s30, $0x12;
	s15 =	sadd.s32 s2, s29;
	s14 =	sshrl.u32 s14, $0x3  }
0x10: {  	[tilespmem:s12+$0xFFFFFFF9 ss:$0x81] =	vst.msk $0xffff, v0;
	s11 =	sor.u32 $0x400, s11;
	s31 =	sadd.s32 s14, s15  }
0x11: {  	[hbm4b:s31+s11] =	stream.strided.scatter [tilespmem:s13], [sflag:$0x2], $0x800, s8, s11, $0x20;
	[tilespmem:$0x2020] =	vst v63  }
.LBB1_5:
0x12: {  	s13 =	sadd.s32 $0x1000, s9  }
0x13: {  	p2 =	sgt.s32 s13, $0x7FFFF  }
0x14: {  	s13 =	smov.u32 @p2 s3;
	p2 =	sne.s32 s10, s7  }
.Ltmp1:
0x15: {  	p1 =	slt.u32 s10, $0x2;
	(pc) =	sbr.rel @!p2 .LBB1_6-.Ltmp1, $4  }
0x16: {  	s12 =	simm.s32 @!p1 $0x2  }
0x17: {  	s14 =	sadd.s32 $0x1, s10;
	_ =	swait.ge @!p1 [sflag:s12], $0x800  }
0x18: {  	s11 =	smov.u32 s9;
	p0 =	por !p0, !p0;
	[sflag:s12] =	ssyncset.done @!p1 $0x0  }
0x19: {  	s10 =	smov.u32 s14;
	s9 =	smov.u32 s13;
	[sflag:s12] =	ssyncadd.s32 @!p1 $0xFFFFF800  }
.LBB1_1:
0x1a: {  	p1 =	sge.u32 s10, s6  }
0x1b: {  	s31 =	sadd.s32 $0xFFFFFFFF, s10;
	s12 =	sxor.u32 @!p1 $0xFFFFFFFF, s10;
	s13 =	sshll.u32 @!p1 s9, $0x4  }
0x1c: {  	s14 =	simm.s32 @!p1 $0x10;
	s12 =	sshll.u32 @!p1 s12, $0xB;
	s13 =	sand.u32 @!p1 $0x7FFFF0, s13  }
0x1d: {  	s15 =	simm.s32 @!p1 $0x80;
	s12 =	sand.u32 @!p1 $0x800, s12;
	s13 =	sadd.s32 @!p1 s4, s13  }
0x1e: {  	[tilespmem:s12], [sflag:$0x1] =	stream.strided.gather @!p1 [hbm4b:s13+s14], $0x800, s15, s14, $0x38;
	[tilespmem:$0x2020] =	vst v63  }
0x1f: {  	p1 =	sge.u32 s31, s6  }
.Ltmp2:
0x20: {  	_ = 	snop;
	(pc) =	sbr.rel @p1 .LBB1_5-.Ltmp2, $1  }
0x21: {  	_ =	sdelay $0x3  }
0x22: {  	s12 =	simm.s32 $0x1  }
0x23: {  	_ =	swait.ge [sflag:s5], $0x800;
	s12 =	simm.s32 @!p0 $0x0  }
0x24: {  	[sflag:s5] =	ssyncset.done $0x0;
	s13 =	sshll.u32 s12, $0xB  }
0x25: {  	[sflag:s5] =	ssyncadd.s32 $0xFFFFF800;
	s15 =	sor.u32 $0x40, s13  }
0x26: {  	v0 =	vld [tilespmem:s15+$0x30]  }
0x27: {  	s12 =	smul.u32 $0x2040, s12;
	v4 =	vld [tilespmem:s15+$0xFFFFFFD0]  }
0x28: {  	v5 =	vld [tilespmem:s15+$0xFFFFFFE0]  }
0x29: {  	s31 =	sand.u32 $0x1, s10;
	s12 =	sshrl.u32 s12, $0x2;
	v2 =	vld [tilespmem:s15+$0xFFFFFFF0]  }
0x2a: {  	s13 =	smul.u32 $0x2040, s31;
	v3 =	vld [tilespmem:s15+$0x0];
	s12 =	sor.u32 $0x1007, s12  }
0x2b: {  	v1 =	vld [tilespmem:s15+$0x10];
	[tilespmem:s12+$0x0 ss:$0x81] =	vst.msk $0xffff, v0  }
0x2c: {  	s13 =	sshrl.u32 s13, $0x2;
	[tilespmem:s12+$0xFFFFFFFA ss:$0x81] =	vst.msk $0xffff, v4;
	v4 =	vld [tilespmem:s15+$0x20]  }
0x2d: {  	s14 =	simm.s32 $0x0;
	s13 =	sor.u32 $0x1000, s13;
	v0 =	vld [tilespmem:s15+$0xFFFFFFC0];
	[tilespmem:s12+$0xFFFFFFFB ss:$0x81] =	vst.msk $0xffff, v5;
	s15 =	sadd.s32 $0x80, s15  }
.LBB1_3:
0x2e: {  	v5 =	vld [tilespmem:s15+$0x30];
	s14 =	sadd.s32 $0x8, s14;
	[tilespmem:s12+$0xFFFFFFFC ss:$0x81] =	vst.msk $0xffff, v2  }
0x2f: {  	v6 =	vld [tilespmem:s15+$0xFFFFFFD0];
	p1 =	slt.u32 s14, $0x78;
	[tilespmem:s12+$0xFFFFFFFD ss:$0x81] =	vst.msk $0xffff, v3  }
0x30: {  	v7 =	vld [tilespmem:s15+$0xFFFFFFE0];
	[tilespmem:s12+$0xFFFFFFFE ss:$0x81] =	vst.msk $0xffff, v1  }
.Ltmp3:
0x31: {  	v2 =	vld [tilespmem:s15+$0xFFFFFFF0];
	[tilespmem:s12+$0xFFFFFFFF ss:$0x81] =	vst.msk $0xffff, v4;
	(pc) =	sbr.rel @p1 .LBB1_3-.Ltmp3, $4  }
0x32: {  	v3 =	vld [tilespmem:s15+$0x0];
	[tilespmem:s12+$0xFFFFFFF9 ss:$0x81] =	vst.msk $0xffff, v0;
	s12 =	sadd.s32 $0x8, s12  }
0x33: {  	v1 =	vld [tilespmem:s15+$0x10];
	[tilespmem:s12+$0x0 ss:$0x81] =	vst.msk $0xffff, v5  }
0x34: {  	[tilespmem:s12+$0xFFFFFFFA ss:$0x81] =	vst.msk $0xffff, v6;
	v4 =	vld [tilespmem:s15+$0x20]  }
0x35: {  	v0 =	vld [tilespmem:s15+$0xFFFFFFC0];
	[tilespmem:s12+$0xFFFFFFFB ss:$0x81] =	vst.msk $0xffff, v7;
	s15 =	sadd.s32 $0x80, s15  }
.Ltmp4:
0x36: {  	_ = 	snop;
	(pc) =	sbr.rel .LBB1_4-.Ltmp4, $1  }
0x37: {  	_ =	sdelay $0x3  }
.LBB1_6:
0x38: {  	_ =	sfence.sel $0x180000  }
0x39: {  	s2 =	simm.s32 $0x1;
	[bflag:$0x0] =	sbarrier.arrive $0xFFFF  }
0x3a: {  	s31 =	simm.s32 $0x2;
	[sflag:s2] =	ssyncpa.u1 $0x1  }
0x3b: {  	[sflag:s31] =	ssyncpa.u1 $0x1  }
0x3c: {  	p0 =	sne.s32 s0, $0x0;
	_ =	strace $0x90000047  }
0x3d: {  	s0 =	sadd.s32 @!p0 $0x100000, s1;
	[bflag:$0x2] =	sbarrier.arrive $0xFFFF  }
0x3e: {  	[sflag:s0] =	ssyncadd.tile.s32 @!p0 $0x1;
	_ =	shalt  }
.Lfunc_end1:
_tile_overlayer_lowered:
.L_overlay_start_2:
0x3f: {  	(tag) =	ssettag $0x2  }
0x40: {  	s0 =	rddreg [dreg:$0x0];
	s2 =	stileid.u32  }
0x41: {  	s1 =	rddreg [dreg:$0x1];
	p0 =	sne.s32 s2, $0x0  }
0x42: {  	s3 =	rddreg [dreg:$0x2];
	[bflag:$0x3] =	sbarrier.arrive $0xFFFF;
	s2 =	simm.s32 @!p0 $0x1C01  }
0x43: {  	[timem:s3], [sflag:s2] =	dma.local @!p0 [hbm:s0], s1  }
0x44: {  	s0 =	simm.s32 @!p0 $0x1  }
0x45: {  	_ =	swait.ge @!p0 [sflag:s0], s1  }
0x46: {  	s1 =	ssub.s32 @!p0 $0x0, s1;
	[sflag:s0] =	ssyncset.done @!p0 $0x0  }
0x47: {  	[sflag:s0] =	ssyncadd.s32 @!p0 s1  }
0x48: {  	[bflag:$0x3] =	sbarrier.arrive $0xFFFF  }
0x49: {  	_ =	shalt  }

</sc_bundles>
